<compile_context>
chip_gen: v7x
topology: tpu7x:2x2x1
jax: 0.10.2.dev20260603
libtpu: 0.0.44.dev20260713+nightly
codegen_flags: <defaults>
</compile_context>

<pallas_src>
import functools

import jax
import jax.numpy as jnp
from jax import lax
from jax.experimental import pallas as pl
from jax.experimental.pallas import tpu as pltpu
from jax.experimental.pallas import tpu_sc as plsc

_L = 16
_NC = 2
_NS = 16
_NW = _NC * _NS
_G = 4


@functools.cache
def _build(n_events: int, n_nodes: int, shift: int):
    assert n_events % (_NW * _L * _G) == 0
    ev_per_w = n_events // _NW
    n_groups = ev_per_w // _L
    mesh = plsc.VectorSubcoreMesh(core_axis_name="c", subcore_axis_name="s")

    @functools.partial(
        pl.kernel,
        out_type=jax.ShapeDtypeStruct((_NC * _L,), jnp.float32),
        mesh=mesh,
        scratch_types=[
            pltpu.VMEM((ev_per_w,), jnp.int32),
            pltpu.VMEM((n_nodes + _L,), jnp.int32),
            pltpu.VMEM((_L,), jnp.float32),
            pltpu.VMEM((_L,), jnp.float32),
            pltpu.VMEM((2 * _NS * _L,), jnp.float32),
            pltpu.VMEM_SHARED((2 * _NS * _L,), jnp.float32),
            pltpu.VMEM_SHARED((n_nodes + _L,), jnp.int32),
            pltpu.SemaphoreType.DMA,
            pltpu.SemaphoreType.DMA,
            pltpu.SemaphoreType.DMA,
        ],
        compiler_params=pltpu.CompilerParams(needs_layout_passes=False),
    )
    def sc_kernel(ijp_hbm, part_out,
                  ij_v, p_v, oa_v, ob_v, red_v, shared_v, shared_tab,
                  sem_t, sem_0, sem_1):
        cid = lax.axis_index("c")
        sid = lax.axis_index("s")
        wid = sid * _NC + cid
        base = wid * ev_per_w
        half = ev_per_w // 2
        c_ij0 = pltpu.async_copy(
            ijp_hbm.at[pl.ds(base, half)], ij_v.at[pl.ds(0, half)], sem_0)
        c_ij1 = pltpu.async_copy(
            ijp_hbm.at[pl.ds(base + half, half)],
            ij_v.at[pl.ds(half, half)], sem_1)

        @pl.when(sid == 0)
        def _():
            pltpu.sync_copy(ijp_hbm.at[pl.ds(n_events, n_nodes + _L)], p_v)
            pltpu.sync_copy(p_v, shared_tab)

        plsc.subcore_barrier()

        @pl.when(sid != 0)
        def _():
            pltpu.sync_copy(shared_tab, p_v)

        c_ij0.wait()

        zero = jnp.zeros((_L,), jnp.float32)
        mask = jnp.full((_L,), (1 << shift) - 1, jnp.int32)
        shift_v = jnp.full((_L,), shift, jnp.int32)
        hi_mask = jnp.full((_L,), -65536, jnp.int32)
        sh16 = jnp.full((_L,), 16, jnp.int32)

        _C = [0.9999999765848521, -0.9999980949952354, 0.4999630105647388,
              -0.16637802715542033, 0.04060080916249603,
              -0.006442156508073248]
        cs = [jnp.full((_L,), c, jnp.float32) for c in _C]

        def exp_neg(d):
            r = cs[5]
            for k in (4, 3, 2, 1, 0):
                r = r * d + cs[k]
            return r

        def coords(pk):
            xk = plsc.bitcast(lax.bitwise_and(pk, hi_mask), jnp.float32)
            yk = plsc.bitcast(lax.shift_left(pk, sh16), jnp.float32)
            return xk, yk

        def body(t, carry):
            out = []
            for g in range(_G):
                off = (t + g) * _L
                ij = ij_v[pl.ds(off, _L)]
                iv = lax.shift_right_logical(ij, shift_v)
                jv = lax.bitwise_and(ij, mask)
                xi, yi = coords(plsc.load_gather(p_v, [iv]))
                xj, yj = coords(plsc.load_gather(p_v, [jv]))
                dx = xi - xj
                dy = yi - yj
                d = dx * dx + dy * dy
                out.append(carry[2 * g] + d)
                out.append(carry[2 * g + 1] + jnp.exp(-d))
            return tuple(out)

        h_groups = n_groups // 2
        accs0 = plsc.parallel_loop(0, h_groups, step=_G, unroll=4,
                                   carry=(zero,) * (2 * _G))(body)
        c_ij1.wait()
        accs = plsc.parallel_loop(h_groups, n_groups, step=_G, unroll=4,
                                  carry=accs0)(body)

        acc_d = accs[0] + accs[2] + accs[4] + accs[6]
        acc_e = accs[1] + accs[3] + accs[5] + accs[7]
        oa_v[...] = acc_d
        ob_v[...] = acc_e
        pltpu.sync_copy(oa_v, shared_v.at[pl.ds(sid * _L, _L)])
        pltpu.sync_copy(ob_v, shared_v.at[pl.ds((_NS + sid) * _L, _L)])
        plsc.subcore_barrier()

        @pl.when(sid == 0)
        def _():
            pltpu.sync_copy(shared_v, red_v)
            sum_d = red_v[pl.ds(0, _L)]
            sum_e = red_v[pl.ds(_NS * _L, _L)]
            for s in range(1, _NS):
                sum_d = sum_d + red_v[pl.ds(s * _L, _L)]
                sum_e = sum_e + red_v[pl.ds((_NS + s) * _L, _L)]
            bvec = plsc.bitcast(p_v[pl.ds(n_nodes, _L)], jnp.float32)
            eb = jnp.exp(bvec)
            nb = jnp.full((_L,), float(n_events) / (_NC * _L), jnp.float32)
            oa_v[...] = sum_d + eb * sum_e - nb * bvec
            pltpu.sync_copy(oa_v, part_out.at[pl.ds(cid * _L, _L)])

    return sc_kernel


def kernel(data, t0, tn, beta, z0):
    n_events = data.shape[0]
    n_nodes = z0.shape[0]
    shift = max(1, (n_nodes - 1).bit_length())
    ij_arr = jnp.left_shift(data[:, 0].astype(jnp.int32), shift) | \
        data[:, 1].astype(jnp.int32)
    zb = lax.bitcast_convert_type(z0.astype(jnp.float32), jnp.int32)
    zr = lax.shift_right_logical(
        zb + 32767 + (lax.shift_right_logical(zb, 16) & 1), 16)
    p_arr = jnp.left_shift(zr[:, 0], 16) | zr[:, 1]
    b_bits = jnp.broadcast_to(
        lax.bitcast_convert_type(beta.astype(jnp.float32)[0, 0], jnp.int32),
        (_L,))
    ijp_arr = jnp.concatenate([ij_arr, p_arr, b_bits])
    parts = _build(n_events, n_nodes, shift)(ijp_arr)
    return jnp.sum(parts)

# --- scband reference (transcript-rebuilt; emitter-appended) ---
"""Pipeline reference for scband-no-dynamics-model-15247133901110 (READ-ONLY COPY).

The authoritative reference and input builder live on the scoring server;
editing this copy changes nothing except your own understanding.
"""

import jax, jax.numpy as jnp
import numpy as np

N_POINTS = 8192
N_EVENTS = 262144


def setup_inputs(seed: int = 0) -> dict:
    key = jax.random.key(seed)
    k1, k2 = jax.random.split(key, 2)
    data = jax.random.randint(k1, (N_EVENTS, 3), 0, N_POINTS)
    # learned parameters (mirroring nn.Parameter init in __init__)
    beta = jnp.array([[0.5]], dtype=jnp.float32)
    z0 = jax.random.uniform(k2, (N_POINTS, 2), dtype=jnp.float32) * 0.5
    return {"data": data, "t0": 0, "tn": 1, "beta": beta, "z0": z0}


def vec_squared_euclidean_dist(z):
    sq = jnp.sum(z * z, axis=1)
    return sq[:, None] + sq[None, :] - 2.0 * (z @ z.T)


def reference(data, t0, tn, beta, z0):
    i = data[:, 0]
    j = data[:, 1]
    distances = vec_squared_euclidean_dist(z0)
    # log_intensity_function: beta - distances (beta is [1,1], broadcasts)
    log_intensities = beta - distances
    event_intensity = jnp.sum(log_intensities[i, j])
    # intensity_function: exp(beta - distances)
    intensities = jnp.exp(beta - distances)
    non_event_intensity = jnp.sum(intensities[i, j])
    log_likelihood = event_intensity - non_event_intensity
    return -log_likelihood

if __name__ == "__main__":
    import jax
    _d = setup_inputs()
    print(jax.jit(kernel)(*tuple(_d.values())))

</pallas_src>

<mosaic_0001>
#map = affine_map<(d0, d1) -> (0)>
module attributes {stable_mosaic.version = 14 : i64} {
  func.func @sc_kernel(%arg0: i32, %arg1: i32, %arg2: memref<270352xi32, #tpu.memory_space<hbm>>, %arg3: memref<32xf32, #tpu.memory_space<hbm>>, %arg4: memref<8192xi32, #tpu.memory_space<vmem>>, %arg5: memref<8208xi32, #tpu.memory_space<vmem>>, %arg6: memref<16xf32, #tpu.memory_space<vmem>>, %arg7: memref<16xf32, #tpu.memory_space<vmem>>, %arg8: memref<512xf32, #tpu.memory_space<vmem>>, %arg9: memref<512xf32, #tpu.memory_space<vmem_shared>>, %arg10: memref<8208xi32, #tpu.memory_space<vmem_shared>>, %arg11: memref<!tpu.dma_semaphore, #tpu.memory_space<semaphore_mem>>, %arg12: memref<!tpu.dma_semaphore, #tpu.memory_space<semaphore_mem>>, %arg13: memref<!tpu.dma_semaphore, #tpu.memory_space<semaphore_mem>>) attributes {dimension_semantics = [#tpu.dimension_semantics<core_parallel>, #tpu.dimension_semantics<subcore_parallel>], iteration_bounds = array<i64: 2, 16>, scalar_prefetch = 0 : i64, scratch_operands = 10 : i64, tpu.core_type = #tpu.core_type<sc_vector_subcore>, window_params = [{transform_indices = #map}, {transform_indices = #map}]} {
    %mul3A = arith.constant 2 : i32
    %mul3A_0 = arith.muli %arg1, %mul3A : i32
    %add3A = arith.addi %mul3A_0, %arg0 : i32
    %mul3A_1 = arith.constant 8192 : i32
    %mul3A_2 = arith.muli %add3A, %mul3A_1 : i32
    %dma_start3A = arith.constant 0 : i32
    %dma_start3A_3 = tpu.memref_slice %arg4[%dma_start3A] : memref<8192xi32, #tpu.memory_space<vmem>> -> memref<4096xi32, #tpu.memory_space<vmem>>
    %dma_start3A_4 = tpu.memref_slice %arg2[%mul3A_2] : memref<270352xi32, #tpu.memory_space<hbm>> -> memref<4096xi32, #tpu.memory_space<hbm>>
    %dma_start3A_5 = arith.constant 0 : i32
    %dma_start3A_6 = tpu.memref_slice %arg4[%dma_start3A_5] : memref<8192xi32, #tpu.memory_space<vmem>> -> memref<4096xi32, #tpu.memory_space<vmem>>
    %dma_start3A_7 = tpu.memref_slice %arg2[%mul3A_2] : memref<270352xi32, #tpu.memory_space<hbm>> -> memref<4096xi32, #tpu.memory_space<hbm>>
    tpu.enqueue_dma source(%dma_start3A_7 : memref<4096xi32, #tpu.memory_space<hbm>>) target(%dma_start3A_6 : memref<4096xi32, #tpu.memory_space<vmem>>) target_semaphore(%arg12 : memref<!tpu.dma_semaphore, #tpu.memory_space<semaphore_mem>>)
    %add3A_8 = arith.constant 4096 : i32
    %add3A_9 = arith.addi %mul3A_2, %add3A_8 : i32
    %dma_start3A_10 = arith.constant 4096 : i32
    %dma_start3A_11 = tpu.memref_slice %arg4[%dma_start3A_10] : memref<8192xi32, #tpu.memory_space<vmem>> -> memref<4096xi32, #tpu.memory_space<vmem>>
    %dma_start3A_12 = tpu.memref_slice %arg2[%add3A_9] : memref<270352xi32, #tpu.memory_space<hbm>> -> memref<4096xi32, #tpu.memory_space<hbm>>
    %dma_start3A_13 = arith.constant 4096 : i32
    %dma_start3A_14 = tpu.memref_slice %arg4[%dma_start3A_13] : memref<8192xi32, #tpu.memory_space<vmem>> -> memref<4096xi32, #tpu.memory_space<vmem>>
    %dma_start3A_15 = tpu.memref_slice %arg2[%add3A_9] : memref<270352xi32, #tpu.memory_space<hbm>> -> memref<4096xi32, #tpu.memory_space<hbm>>
    tpu.enqueue_dma source(%dma_start3A_15 : memref<4096xi32, #tpu.memory_space<hbm>>) target(%dma_start3A_14 : memref<4096xi32, #tpu.memory_space<vmem>>) target_semaphore(%arg13 : memref<!tpu.dma_semaphore, #tpu.memory_space<semaphore_mem>>)
    %eq3A = arith.constant 0 : i32
    %eq3A_16 = arith.cmpi eq, %arg1, %eq3A : i32
    %convert_element_type3A = arith.extui %eq3A_16 : i1 to i32
    %cond3A = arith.constant 0 : i32
    %cond3A_17 = arith.cmpi ne, %convert_element_type3A, %cond3A : i32
    scf.if %cond3A_17 {
      "tpu.region"() ({
        %run_scoped3A = tpu.sem_alloc : memref<!tpu.dma_semaphore, #tpu.memory_space<semaphore_mem>>
        %dma_start3A_82 = arith.constant 262144 : i32
        %dma_start3A_83 = tpu.memref_slice %arg2[%dma_start3A_82] : memref<270352xi32, #tpu.memory_space<hbm>> -> memref<8208xi32, #tpu.memory_space<hbm>>
        %dma_start3A_84 = arith.constant 262144 : i32
        %dma_start3A_85 = tpu.memref_slice %arg2[%dma_start3A_84] : memref<270352xi32, #tpu.memory_space<hbm>> -> memref<8208xi32, #tpu.memory_space<hbm>>
        tpu.enqueue_dma source(%dma_start3A_85 : memref<8208xi32, #tpu.memory_space<hbm>>) target(%arg5 : memref<8208xi32, #tpu.memory_space<vmem>>) target_semaphore(%run_scoped3A : memref<!tpu.dma_semaphore, #tpu.memory_space<semaphore_mem>>)
        %dma_wait3A_86 = arith.constant 262144 : i32
        %dma_wait3A_87 = tpu.memref_slice %arg2[%dma_wait3A_86] : memref<270352xi32, #tpu.memory_space<hbm>> -> memref<8208xi32, #tpu.memory_space<hbm>>
        %dma_wait3A_88 = arith.constant 262144 : i32
        %dma_wait3A_89 = tpu.memref_slice %arg2[%dma_wait3A_88] : memref<270352xi32, #tpu.memory_space<hbm>> -> memref<8208xi32, #tpu.memory_space<hbm>>
        tpu.wait_dma2 semaphore(%run_scoped3A : memref<!tpu.dma_semaphore, #tpu.memory_space<semaphore_mem>>) src(%dma_wait3A_89 : memref<8208xi32, #tpu.memory_space<hbm>>) dst(%arg5 : memref<8208xi32, #tpu.memory_space<vmem>>)
        tpu.yield
      }) : () -> ()
      "tpu.region"() ({
        %run_scoped3A = tpu.sem_alloc : memref<!tpu.dma_semaphore, #tpu.memory_space<semaphore_mem>>
        tpu.enqueue_dma source(%arg5 : memref<8208xi32, #tpu.memory_space<vmem>>) target(%arg10 : memref<8208xi32, #tpu.memory_space<vmem_shared>>) target_semaphore(%run_scoped3A : memref<!tpu.dma_semaphore, #tpu.memory_space<semaphore_mem>>)
        tpu.wait_dma2 semaphore(%run_scoped3A : memref<!tpu.dma_semaphore, #tpu.memory_space<semaphore_mem>>) src(%arg5 : memref<8208xi32, #tpu.memory_space<vmem>>) dst(%arg10 : memref<8208xi32, #tpu.memory_space<vmem_shared>>)
        tpu.yield
      }) : () -> ()
    } else {
    }
    %barrier3A = arith.constant 0 : index
    tpu.barrier barrier_id(%barrier3A)
    %ne3A = arith.constant 0 : i32
    %ne3A_18 = arith.cmpi ne, %arg1, %ne3A : i32
    %convert_element_type3A_19 = arith.extui %ne3A_18 : i1 to i32
    %cond3A_20 = arith.constant 0 : i32
    %cond3A_21 = arith.cmpi ne, %convert_element_type3A_19, %cond3A_20 : i32
    scf.if %cond3A_21 {
      "tpu.region"() ({
        %run_scoped3A = tpu.sem_alloc : memref<!tpu.dma_semaphore, #tpu.memory_space<semaphore_mem>>
        tpu.enqueue_dma source(%arg10 : memref<8208xi32, #tpu.memory_space<vmem_shared>>) target(%arg5 : memref<8208xi32, #tpu.memory_space<vmem>>) target_semaphore(%run_scoped3A : memref<!tpu.dma_semaphore, #tpu.memory_space<semaphore_mem>>)
        tpu.wait_dma2 semaphore(%run_scoped3A : memref<!tpu.dma_semaphore, #tpu.memory_space<semaphore_mem>>) src(%arg10 : memref<8208xi32, #tpu.memory_space<vmem_shared>>) dst(%arg5 : memref<8208xi32, #tpu.memory_space<vmem>>)
        tpu.yield
      }) : () -> ()
    } else {
    }
    %dma_wait3A = arith.constant 0 : i32
    %dma_wait3A_22 = tpu.memref_slice %arg4[%dma_wait3A] : memref<8192xi32, #tpu.memory_space<vmem>> -> memref<4096xi32, #tpu.memory_space<vmem>>
    %dma_wait3A_23 = tpu.memref_slice %arg2[%mul3A_2] : memref<270352xi32, #tpu.memory_space<hbm>> -> memref<4096xi32, #tpu.memory_space<hbm>>
    %dma_wait3A_24 = arith.constant 0 : i32
    %dma_wait3A_25 = tpu.memref_slice %arg4[%dma_wait3A_24] : memref<8192xi32, #tpu.memory_space<vmem>> -> memref<4096xi32, #tpu.memory_space<vmem>>
    %dma_wait3A_26 = tpu.memref_slice %arg2[%mul3A_2] : memref<270352xi32, #tpu.memory_space<hbm>> -> memref<4096xi32, #tpu.memory_space<hbm>>
    tpu.wait_dma2 semaphore(%arg12 : memref<!tpu.dma_semaphore, #tpu.memory_space<semaphore_mem>>) src(%dma_wait3A_26 : memref<4096xi32, #tpu.memory_space<hbm>>) dst(%dma_wait3A_25 : memref<4096xi32, #tpu.memory_space<vmem>>)
    %broadcast_in_dim3A = arith.constant 0.000000e+00 : f32
    %broadcast_in_dim3A_27 = vector.broadcast %broadcast_in_dim3A : f32 to vector<16xf32>
    %broadcast_in_dim3A_28 = arith.constant 8191 : i32
    %broadcast_in_dim3A_29 = vector.broadcast %broadcast_in_dim3A_28 : i32 to vector<16xi32>
    %broadcast_in_dim3A_30 = arith.constant 13 : i32
    %broadcast_in_dim3A_31 = vector.broadcast %broadcast_in_dim3A_30 : i32 to vector<16xi32>
    %broadcast_in_dim3A_32 = arith.constant -65536 : i32
    %broadcast_in_dim3A_33 = vector.broadcast %broadcast_in_dim3A_32 : i32 to vector<16xi32>
    %broadcast_in_dim3A_34 = arith.constant 16 : i32
    %broadcast_in_dim3A_35 = vector.broadcast %broadcast_in_dim3A_34 : i32 to vector<16xi32>
    %broadcast_in_dim3A_36 = arith.constant 1.000000e+00 : f32
    %broadcast_in_dim3A_37 = vector.broadcast %broadcast_in_dim3A_36 : f32 to vector<16xf32>
    %broadcast_in_dim3A_38 = arith.constant -0.999998092 : f32
    %broadcast_in_dim3A_39 = vector.broadcast %broadcast_in_dim3A_38 : f32 to vector<16xf32>
    %broadcast_in_dim3A_40 = arith.constant 0.499963015 : f32
    %broadcast_in_dim3A_41 = vector.broadcast %broadcast_in_dim3A_40 : f32 to vector<16xf32>
    %broadcast_in_dim3A_42 = arith.constant -0.166378021 : f32
    %broadcast_in_dim3A_43 = vector.broadcast %broadcast_in_dim3A_42 : f32 to vector<16xf32>
    %broadcast_in_dim3A_44 = arith.constant 0.0406008102 : f32
    %broadcast_in_dim3A_45 = vector.broadcast %broadcast_in_dim3A_44 : f32 to vector<16xf32>
    %broadcast_in_dim3A_46 = arith.constant -0.00644215662 : f32
    %broadcast_in_dim3A_47 = vector.broadcast %broadcast_in_dim3A_46 : f32 to vector<16xf32>
    %parallel_loop3A = arith.constant 0 : i32
    %parallel_loop3A_48 = arith.constant 256 : i32
    %parallel_loop3A_49 = arith.constant 4 : i32
    %parallel_loop3A_50:8 = scf.for %parallel_loop3A_82 = %parallel_loop3A to %parallel_loop3A_48 step %parallel_loop3A_49 iter_args(%parallel_loop3A_83 = %broadcast_in_dim3A_27, %parallel_loop3A_84 = %broadcast_in_dim3A_27, %parallel_loop3A_85 = %broadcast_in_dim3A_27, %parallel_loop3A_86 = %broadcast_in_dim3A_27, %parallel_loop3A_87 = %broadcast_in_dim3A_27, %parallel_loop3A_88 = %broadcast_in_dim3A_27, %parallel_loop3A_89 = %broadcast_in_dim3A_27, %parallel_loop3A_90 = %broadcast_in_dim3A_27) -> (vector<16xf32>, vector<16xf32>, vector<16xf32>, vector<16xf32>, vector<16xf32>, vector<16xf32>, vector<16xf32>, vector<16xf32>)  : i32 {
      %parallel_loop3A_91 = arith.constant 0 : i32
      %parallel_loop3A_92 = arith.addi %parallel_loop3A_82, %parallel_loop3A_91 : i32
      %parallel_loop3A_93 = arith.constant 16 : i32
      %parallel_loop3A_94 = arith.muli %parallel_loop3A_92, %parallel_loop3A_93 : i32
      %parallel_loop3A_95 = arith.index_cast %parallel_loop3A_94 : i32 to index
      %parallel_loop3A_96 = tpu.vector_load %arg4[%parallel_loop3A_95] {strides = array<i32>} : memref<8192xi32, #tpu.memory_space<vmem>>, vector<16xi32>,
      %parallel_loop3A_97 = arith.shrui %parallel_loop3A_96, %broadcast_in_dim3A_31 : vector<16xi32>
      %parallel_loop3A_98 = arith.andi %parallel_loop3A_96, %broadcast_in_dim3A_29 : vector<16xi32>
      %parallel_loop3A_99 = tpu.vector_load_idx %arg5[%parallel_loop3A_97] : memref<8208xi32, #tpu.memory_space<vmem>>[vector<16xi32>], vector<16xi32>,
      %parallel_loop3A_100 = arith.andi %parallel_loop3A_99, %broadcast_in_dim3A_33 : vector<16xi32>
      %parallel_loop3A_101 = vector.bitcast %parallel_loop3A_100 : vector<16xi32> to vector<16xf32>
      %parallel_loop3A_102 = arith.shli %parallel_loop3A_99, %broadcast_in_dim3A_35 : vector<16xi32>
      %parallel_loop3A_103 = vector.bitcast %parallel_loop3A_102 : vector<16xi32> to vector<16xf32>
      %parallel_loop3A_104 = tpu.vector_load_idx %arg5[%parallel_loop3A_98] : memref<8208xi32, #tpu.memory_space<vmem>>[vector<16xi32>], vector<16xi32>,
      %parallel_loop3A_105 = arith.andi %parallel_loop3A_104, %broadcast_in_dim3A_33 : vector<16xi32>
      %parallel_loop3A_106 = vector.bitcast %parallel_loop3A_105 : vector<16xi32> to vector<16xf32>
      %parallel_loop3A_107 = arith.shli %parallel_loop3A_104, %broadcast_in_dim3A_35 : vector<16xi32>
      %parallel_loop3A_108 = vector.bitcast %parallel_loop3A_107 : vector<16xi32> to vector<16xf32>
      %parallel_loop3A_109 = arith.subf %parallel_loop3A_101, %parallel_loop3A_106 : vector<16xf32>
      %parallel_loop3A_110 = arith.subf %parallel_loop3A_103, %parallel_loop3A_108 : vector<16xf32>
      %parallel_loop3A_111 = arith.mulf %parallel_loop3A_109, %parallel_loop3A_109 : vector<16xf32>
      %parallel_loop3A_112 = arith.mulf %parallel_loop3A_110, %parallel_loop3A_110 : vector<16xf32>
      %parallel_loop3A_113 = arith.addf %parallel_loop3A_111, %parallel_loop3A_112 : vector<16xf32>
      %parallel_loop3A_114 = arith.addf %parallel_loop3A_83, %parallel_loop3A_113 : vector<16xf32>
      %parallel_loop3A_115 = arith.constant 0.000000e+00 : f32
      %parallel_loop3A_116 = vector.broadcast %parallel_loop3A_115 : f32 to vector<16xf32>
      %parallel_loop3A_117 = arith.subf %parallel_loop3A_116, %parallel_loop3A_113 : vector<16xf32>
      %parallel_loop3A_118 = math.exp %parallel_loop3A_117 : vector<16xf32>
      %parallel_loop3A_119 = arith.addf %parallel_loop3A_84, %parallel_loop3A_118 : vector<16xf32>
      %parallel_loop3A_120 = arith.constant 1 : i32
      %parallel_loop3A_121 = arith.addi %parallel_loop3A_82, %parallel_loop3A_120 : i32
      %parallel_loop3A_122 = arith.constant 16 : i32
      %parallel_loop3A_123 = arith.muli %parallel_loop3A_121, %parallel_loop3A_122 : i32
      %parallel_loop3A_124 = arith.index_cast %parallel_loop3A_123 : i32 to index
      %parallel_loop3A_125 = tpu.vector_load %arg4[%parallel_loop3A_124] {strides = array<i32>} : memref<8192xi32, #tpu.memory_space<vmem>>, vector<16xi32>,
      %parallel_loop3A_126 = arith.shrui %parallel_loop3A_125, %broadcast_in_dim3A_31 : vector<16xi32>
      %parallel_loop3A_127 = arith.andi %parallel_loop3A_125, %broadcast_in_dim3A_29 : vector<16xi32>
      %parallel_loop3A_128 = tpu.vector_load_idx %arg5[%parallel_loop3A_126] : memref<8208xi32, #tpu.memory_space<vmem>>[vector<16xi32>], vector<16xi32>,
      %parallel_loop3A_129 = arith.andi %parallel_loop3A_128, %broadcast_in_dim3A_33 : vector<16xi32>
      %parallel_loop3A_130 = vector.bitcast %parallel_loop3A_129 : vector<16xi32> to vector<16xf32>
      %parallel_loop3A_131 = arith.shli %parallel_loop3A_128, %broadcast_in_dim3A_35 : vector<16xi32>
      %parallel_loop3A_132 = vector.bitcast %parallel_loop3A_131 : vector<16xi32> to vector<16xf32>
      %parallel_loop3A_133 = tpu.vector_load_idx %arg5[%parallel_loop3A_127] : memref<8208xi32, #tpu.memory_space<vmem>>[vector<16xi32>], vector<16xi32>,
      %parallel_loop3A_134 = arith.andi %parallel_loop3A_133, %broadcast_in_dim3A_33 : vector<16xi32>
      %parallel_loop3A_135 = vector.bitcast %parallel_loop3A_134 : vector<16xi32> to vector<16xf32>
      %parallel_loop3A_136 = arith.shli %parallel_loop3A_133, %broadcast_in_dim3A_35 : vector<16xi32>
      %parallel_loop3A_137 = vector.bitcast %parallel_loop3A_136 : vector<16xi32> to vector<16xf32>
      %parallel_loop3A_138 = arith.subf %parallel_loop3A_130, %parallel_loop3A_135 : vector<16xf32>
      %parallel_loop3A_139 = arith.subf %parallel_loop3A_132, %parallel_loop3A_137 : vector<16xf32>
      %parallel_loop3A_140 = arith.mulf %parallel_loop3A_138, %parallel_loop3A_138 : vector<16xf32>
      %parallel_loop3A_141 = arith.mulf %parallel_loop3A_139, %parallel_loop3A_139 : vector<16xf32>
      %parallel_loop3A_142 = arith.addf %parallel_loop3A_140, %parallel_loop3A_141 : vector<16xf32>
      %parallel_loop3A_143 = arith.addf %parallel_loop3A_85, %parallel_loop3A_142 : vector<16xf32>
      %parallel_loop3A_144 = arith.constant 0.000000e+00 : f32
      %parallel_loop3A_145 = vector.broadcast %parallel_loop3A_144 : f32 to vector<16xf32>
      %parallel_loop3A_146 = arith.subf %parallel_loop3A_145, %parallel_loop3A_142 : vector<16xf32>
      %parallel_loop3A_147 = math.exp %parallel_loop3A_146 : vector<16xf32>
      %parallel_loop3A_148 = arith.addf %parallel_loop3A_86, %parallel_loop3A_147 : vector<16xf32>
      %parallel_loop3A_149 = arith.constant 2 : i32
      %parallel_loop3A_150 = arith.addi %parallel_loop3A_82, %parallel_loop3A_149 : i32
      %parallel_loop3A_151 = arith.constant 16 : i32
      %parallel_loop3A_152 = arith.muli %parallel_loop3A_150, %parallel_loop3A_151 : i32
      %parallel_loop3A_153 = arith.index_cast %parallel_loop3A_152 : i32 to index
      %parallel_loop3A_154 = tpu.vector_load %arg4[%parallel_loop3A_153] {strides = array<i32>} : memref<8192xi32, #tpu.memory_space<vmem>>, vector<16xi32>,
      %parallel_loop3A_155 = arith.shrui %parallel_loop3A_154, %broadcast_in_dim3A_31 : vector<16xi32>
      %parallel_loop3A_156 = arith.andi %parallel_loop3A_154, %broadcast_in_dim3A_29 : vector<16xi32>
      %parallel_loop3A_157 = tpu.vector_load_idx %arg5[%parallel_loop3A_155] : memref<8208xi32, #tpu.memory_space<vmem>>[vector<16xi32>], vector<16xi32>,
      %parallel_loop3A_158 = arith.andi %parallel_loop3A_157, %broadcast_in_dim3A_33 : vector<16xi32>
      %parallel_loop3A_159 = vector.bitcast %parallel_loop3A_158 : vector<16xi32> to vector<16xf32>
      %parallel_loop3A_160 = arith.shli %parallel_loop3A_157, %broadcast_in_dim3A_35 : vector<16xi32>
      %parallel_loop3A_161 = vector.bitcast %parallel_loop3A_160 : vector<16xi32> to vector<16xf32>
      %parallel_loop3A_162 = tpu.vector_load_idx %arg5[%parallel_loop3A_156] : memref<8208xi32, #tpu.memory_space<vmem>>[vector<16xi32>], vector<16xi32>,
      %parallel_loop3A_163 = arith.andi %parallel_loop3A_162, %broadcast_in_dim3A_33 : vector<16xi32>
      %parallel_loop3A_164 = vector.bitcast %parallel_loop3A_163 : vector<16xi32> to vector<16xf32>
      %parallel_loop3A_165 = arith.shli %parallel_loop3A_162, %broadcast_in_dim3A_35 : vector<16xi32>
      %parallel_loop3A_166 = vector.bitcast %parallel_loop3A_165 : vector<16xi32> to vector<16xf32>
      %parallel_loop3A_167 = arith.subf %parallel_loop3A_159, %parallel_loop3A_164 : vector<16xf32>
      %parallel_loop3A_168 = arith.subf %parallel_loop3A_161, %parallel_loop3A_166 : vector<16xf32>
      %parallel_loop3A_169 = arith.mulf %parallel_loop3A_167, %parallel_loop3A_167 : vector<16xf32>
      %parallel_loop3A_170 = arith.mulf %parallel_loop3A_168, %parallel_loop3A_168 : vector<16xf32>
      %parallel_loop3A_171 = arith.addf %parallel_loop3A_169, %parallel_loop3A_170 : vector<16xf32>
      %parallel_loop3A_172 = arith.addf %parallel_loop3A_87, %parallel_loop3A_171 : vector<16xf32>
      %parallel_loop3A_173 = arith.constant 0.000000e+00 : f32
      %parallel_loop3A_174 = vector.broadcast %parallel_loop3A_173 : f32 to vector<16xf32>
      %parallel_loop3A_175 = arith.subf %parallel_loop3A_174, %parallel_loop3A_171 : vector<16xf32>
      %parallel_loop3A_176 = math.exp %parallel_loop3A_175 : vector<16xf32>
      %parallel_loop3A_177 = arith.addf %parallel_loop3A_88, %parallel_loop3A_176 : vector<16xf32>
      %parallel_loop3A_178 = arith.constant 3 : i32
      %parallel_loop3A_179 = arith.addi %parallel_loop3A_82, %parallel_loop3A_178 : i32
      %parallel_loop3A_180 = arith.constant 16 : i32
      %parallel_loop3A_181 = arith.muli %parallel_loop3A_179, %parallel_loop3A_180 : i32
      %parallel_loop3A_182 = arith.index_cast %parallel_loop3A_181 : i32 to index
      %parallel_loop3A_183 = tpu.vector_load %arg4[%parallel_loop3A_182] {strides = array<i32>} : memref<8192xi32, #tpu.memory_space<vmem>>, vector<16xi32>,
      %parallel_loop3A_184 = arith.shrui %parallel_loop3A_183, %broadcast_in_dim3A_31 : vector<16xi32>
      %parallel_loop3A_185 = arith.andi %parallel_loop3A_183, %broadcast_in_dim3A_29 : vector<16xi32>
      %parallel_loop3A_186 = tpu.vector_load_idx %arg5[%parallel_loop3A_184] : memref<8208xi32, #tpu.memory_space<vmem>>[vector<16xi32>], vector<16xi32>,
      %parallel_loop3A_187 = arith.andi %parallel_loop3A_186, %broadcast_in_dim3A_33 : vector<16xi32>
      %parallel_loop3A_188 = vector.bitcast %parallel_loop3A_187 : vector<16xi32> to vector<16xf32>
      %parallel_loop3A_189 = arith.shli %parallel_loop3A_186, %broadcast_in_dim3A_35 : vector<16xi32>
      %parallel_loop3A_190 = vector.bitcast %parallel_loop3A_189 : vector<16xi32> to vector<16xf32>
      %parallel_loop3A_191 = tpu.vector_load_idx %arg5[%parallel_loop3A_185] : memref<8208xi32, #tpu.memory_space<vmem>>[vector<16xi32>], vector<16xi32>,
      %parallel_loop3A_192 = arith.andi %parallel_loop3A_191, %broadcast_in_dim3A_33 : vector<16xi32>
      %parallel_loop3A_193 = vector.bitcast %parallel_loop3A_192 : vector<16xi32> to vector<16xf32>
      %parallel_loop3A_194 = arith.shli %parallel_loop3A_191, %broadcast_in_dim3A_35 : vector<16xi32>
      %parallel_loop3A_195 = vector.bitcast %parallel_loop3A_194 : vector<16xi32> to vector<16xf32>
      %parallel_loop3A_196 = arith.subf %parallel_loop3A_188, %parallel_loop3A_193 : vector<16xf32>
      %parallel_loop3A_197 = arith.subf %parallel_loop3A_190, %parallel_loop3A_195 : vector<16xf32>
      %parallel_loop3A_198 = arith.mulf %parallel_loop3A_196, %parallel_loop3A_196 : vector<16xf32>
      %parallel_loop3A_199 = arith.mulf %parallel_loop3A_197, %parallel_loop3A_197 : vector<16xf32>
      %parallel_loop3A_200 = arith.addf %parallel_loop3A_198, %parallel_loop3A_199 : vector<16xf32>
      %parallel_loop3A_201 = arith.addf %parallel_loop3A_89, %parallel_loop3A_200 : vector<16xf32>
      %parallel_loop3A_202 = arith.constant 0.000000e+00 : f32
      %parallel_loop3A_203 = vector.broadcast %parallel_loop3A_202 : f32 to vector<16xf32>
      %parallel_loop3A_204 = arith.subf %parallel_loop3A_203, %parallel_loop3A_200 : vector<16xf32>
      %parallel_loop3A_205 = math.exp %parallel_loop3A_204 : vector<16xf32>
      %parallel_loop3A_206 = arith.addf %parallel_loop3A_90, %parallel_loop3A_205 : vector<16xf32>
      scf.yield %parallel_loop3A_114, %parallel_loop3A_119, %parallel_loop3A_143, %parallel_loop3A_148, %parallel_loop3A_172, %parallel_loop3A_177, %parallel_loop3A_201, %parallel_loop3A_206 : vector<16xf32>, vector<16xf32>, vector<16xf32>, vector<16xf32>, vector<16xf32>, vector<16xf32>, vector<16xf32>, vector<16xf32>
    } {sc.loop_unroll_factor = 4 : i64, sc.parallel_access}
    %dma_wait3A_51 = arith.constant 4096 : i32
    %dma_wait3A_52 = tpu.memref_slice %arg4[%dma_wait3A_51] : memref<8192xi32, #tpu.memory_space<vmem>> -> memref<4096xi32, #tpu.memory_space<vmem>>
    %dma_wait3A_53 = tpu.memref_slice %arg2[%add3A_9] : memref<270352xi32, #tpu.memory_space<hbm>> -> memref<4096xi32, #tpu.memory_space<hbm>>
    %dma_wait3A_54 = arith.constant 4096 : i32
    %dma_wait3A_55 = tpu.memref_slice %arg4[%dma_wait3A_54] : memref<8192xi32, #tpu.memory_space<vmem>> -> memref<4096xi32, #tpu.memory_space<vmem>>
    %dma_wait3A_56 = tpu.memref_slice %arg2[%add3A_9] : memref<270352xi32, #tpu.memory_space<hbm>> -> memref<4096xi32, #tpu.memory_space<hbm>>
    tpu.wait_dma2 semaphore(%arg13 : memref<!tpu.dma_semaphore, #tpu.memory_space<semaphore_mem>>) src(%dma_wait3A_56 : memref<4096xi32, #tpu.memory_space<hbm>>) dst(%dma_wait3A_55 : memref<4096xi32, #tpu.memory_space<vmem>>)
    %parallel_loop3A_57 = arith.constant 256 : i32
    %parallel_loop3A_58 = arith.constant 512 : i32
    %parallel_loop3A_59 = arith.constant 4 : i32
    %parallel_loop3A_60:8 = scf.for %parallel_loop3A_82 = %parallel_loop3A_57 to %parallel_loop3A_58 step %parallel_loop3A_59 iter_args(%parallel_loop3A_83 = %parallel_loop3A_50#0, %parallel_loop3A_84 = %parallel_loop3A_50#1, %parallel_loop3A_85 = %parallel_loop3A_50#2, %parallel_loop3A_86 = %parallel_loop3A_50#3, %parallel_loop3A_87 = %parallel_loop3A_50#4, %parallel_loop3A_88 = %parallel_loop3A_50#5, %parallel_loop3A_89 = %parallel_loop3A_50#6, %parallel_loop3A_90 = %parallel_loop3A_50#7) -> (vector<16xf32>, vector<16xf32>, vector<16xf32>, vector<16xf32>, vector<16xf32>, vector<16xf32>, vector<16xf32>, vector<16xf32>)  : i32 {
      %parallel_loop3A_91 = arith.constant 0 : i32
      %parallel_loop3A_92 = arith.addi %parallel_loop3A_82, %parallel_loop3A_91 : i32
      %parallel_loop3A_93 = arith.constant 16 : i32
      %parallel_loop3A_94 = arith.muli %parallel_loop3A_92, %parallel_loop3A_93 : i32
      %parallel_loop3A_95 = arith.index_cast %parallel_loop3A_94 : i32 to index
      %parallel_loop3A_96 = tpu.vector_load %arg4[%parallel_loop3A_95] {strides = array<i32>} : memref<8192xi32, #tpu.memory_space<vmem>>, vector<16xi32>,
      %parallel_loop3A_97 = arith.shrui %parallel_loop3A_96, %broadcast_in_dim3A_31 : vector<16xi32>
      %parallel_loop3A_98 = arith.andi %parallel_loop3A_96, %broadcast_in_dim3A_29 : vector<16xi32>
      %parallel_loop3A_99 = tpu.vector_load_idx %arg5[%parallel_loop3A_97] : memref<8208xi32, #tpu.memory_space<vmem>>[vector<16xi32>], vector<16xi32>,
      %parallel_loop3A_100 = arith.andi %parallel_loop3A_99, %broadcast_in_dim3A_33 : vector<16xi32>
      %parallel_loop3A_101 = vector.bitcast %parallel_loop3A_100 : vector<16xi32> to vector<16xf32>
      %parallel_loop3A_102 = arith.shli %parallel_loop3A_99, %broadcast_in_dim3A_35 : vector<16xi32>
      %parallel_loop3A_103 = vector.bitcast %parallel_loop3A_102 : vector<16xi32> to vector<16xf32>
      %parallel_loop3A_104 = tpu.vector_load_idx %arg5[%parallel_loop3A_98] : memref<8208xi32, #tpu.memory_space<vmem>>[vector<16xi32>], vector<16xi32>,
      %parallel_loop3A_105 = arith.andi %parallel_loop3A_104, %broadcast_in_dim3A_33 : vector<16xi32>
      %parallel_loop3A_106 = vector.bitcast %parallel_loop3A_105 : vector<16xi32> to vector<16xf32>
      %parallel_loop3A_107 = arith.shli %parallel_loop3A_104, %broadcast_in_dim3A_35 : vector<16xi32>
      %parallel_loop3A_108 = vector.bitcast %parallel_loop3A_107 : vector<16xi32> to vector<16xf32>
      %parallel_loop3A_109 = arith.subf %parallel_loop3A_101, %parallel_loop3A_106 : vector<16xf32>
      %parallel_loop3A_110 = arith.subf %parallel_loop3A_103, %parallel_loop3A_108 : vector<16xf32>
      %parallel_loop3A_111 = arith.mulf %parallel_loop3A_109, %parallel_loop3A_109 : vector<16xf32>
      %parallel_loop3A_112 = arith.mulf %parallel_loop3A_110, %parallel_loop3A_110 : vector<16xf32>
      %parallel_loop3A_113 = arith.addf %parallel_loop3A_111, %parallel_loop3A_112 : vector<16xf32>
      %parallel_loop3A_114 = arith.addf %parallel_loop3A_83, %parallel_loop3A_113 : vector<16xf32>
      %parallel_loop3A_115 = arith.constant 0.000000e+00 : f32
      %parallel_loop3A_116 = vector.broadcast %parallel_loop3A_115 : f32 to vector<16xf32>
      %parallel_loop3A_117 = arith.subf %parallel_loop3A_116, %parallel_loop3A_113 : vector<16xf32>
      %parallel_loop3A_118 = math.exp %parallel_loop3A_117 : vector<16xf32>
      %parallel_loop3A_119 = arith.addf %parallel_loop3A_84, %parallel_loop3A_118 : vector<16xf32>
      %parallel_loop3A_120 = arith.constant 1 : i32
      %parallel_loop3A_121 = arith.addi %parallel_loop3A_82, %parallel_loop3A_120 : i32
      %parallel_loop3A_122 = arith.constant 16 : i32
      %parallel_loop3A_123 = arith.muli %parallel_loop3A_121, %parallel_loop3A_122 : i32
      %parallel_loop3A_124 = arith.index_cast %parallel_loop3A_123 : i32 to index
      %parallel_loop3A_125 = tpu.vector_load %arg4[%parallel_loop3A_124] {strides = array<i32>} : memref<8192xi32, #tpu.memory_space<vmem>>, vector<16xi32>,
      %parallel_loop3A_126 = arith.shrui %parallel_loop3A_125, %broadcast_in_dim3A_31 : vector<16xi32>
      %parallel_loop3A_127 = arith.andi %parallel_loop3A_125, %broadcast_in_dim3A_29 : vector<16xi32>
      %parallel_loop3A_128 = tpu.vector_load_idx %arg5[%parallel_loop3A_126] : memref<8208xi32, #tpu.memory_space<vmem>>[vector<16xi32>], vector<16xi32>,
      %parallel_loop3A_129 = arith.andi %parallel_loop3A_128, %broadcast_in_dim3A_33 : vector<16xi32>
      %parallel_loop3A_130 = vector.bitcast %parallel_loop3A_129 : vector<16xi32> to vector<16xf32>
      %parallel_loop3A_131 = arith.shli %parallel_loop3A_128, %broadcast_in_dim3A_35 : vector<16xi32>
      %parallel_loop3A_132 = vector.bitcast %parallel_loop3A_131 : vector<16xi32> to vector<16xf32>
      %parallel_loop3A_133 = tpu.vector_load_idx %arg5[%parallel_loop3A_127] : memref<8208xi32, #tpu.memory_space<vmem>>[vector<16xi32>], vector<16xi32>,
      %parallel_loop3A_134 = arith.andi %parallel_loop3A_133, %broadcast_in_dim3A_33 : vector<16xi32>
      %parallel_loop3A_135 = vector.bitcast %parallel_loop3A_134 : vector<16xi32> to vector<16xf32>
      %parallel_loop3A_136 = arith.shli %parallel_loop3A_133, %broadcast_in_dim3A_35 : vector<16xi32>
      %parallel_loop3A_137 = vector.bitcast %parallel_loop3A_136 : vector<16xi32> to vector<16xf32>
      %parallel_loop3A_138 = arith.subf %parallel_loop3A_130, %parallel_loop3A_135 : vector<16xf32>
      %parallel_loop3A_139 = arith.subf %parallel_loop3A_132, %parallel_loop3A_137 : vector<16xf32>
      %parallel_loop3A_140 = arith.mulf %parallel_loop3A_138, %parallel_loop3A_138 : vector<16xf32>
      %parallel_loop3A_141 = arith.mulf %parallel_loop3A_139, %parallel_loop3A_139 : vector<16xf32>
      %parallel_loop3A_142 = arith.addf %parallel_loop3A_140, %parallel_loop3A_141 : vector<16xf32>
      %parallel_loop3A_143 = arith.addf %parallel_loop3A_85, %parallel_loop3A_142 : vector<16xf32>
      %parallel_loop3A_144 = arith.constant 0.000000e+00 : f32
      %parallel_loop3A_145 = vector.broadcast %parallel_loop3A_144 : f32 to vector<16xf32>
      %parallel_loop3A_146 = arith.subf %parallel_loop3A_145, %parallel_loop3A_142 : vector<16xf32>
      %parallel_loop3A_147 = math.exp %parallel_loop3A_146 : vector<16xf32>
      %parallel_loop3A_148 = arith.addf %parallel_loop3A_86, %parallel_loop3A_147 : vector<16xf32>
      %parallel_loop3A_149 = arith.constant 2 : i32
      %parallel_loop3A_150 = arith.addi %parallel_loop3A_82, %parallel_loop3A_149 : i32
      %parallel_loop3A_151 = arith.constant 16 : i32
      %parallel_loop3A_152 = arith.muli %parallel_loop3A_150, %parallel_loop3A_151 : i32
      %parallel_loop3A_153 = arith.index_cast %parallel_loop3A_152 : i32 to index
      %parallel_loop3A_154 = tpu.vector_load %arg4[%parallel_loop3A_153] {strides = array<i32>} : memref<8192xi32, #tpu.memory_space<vmem>>, vector<16xi32>,
      %parallel_loop3A_155 = arith.shrui %parallel_loop3A_154, %broadcast_in_dim3A_31 : vector<16xi32>
      %parallel_loop3A_156 = arith.andi %parallel_loop3A_154, %broadcast_in_dim3A_29 : vector<16xi32>
      %parallel_loop3A_157 = tpu.vector_load_idx %arg5[%parallel_loop3A_155] : memref<8208xi32, #tpu.memory_space<vmem>>[vector<16xi32>], vector<16xi32>,
      %parallel_loop3A_158 = arith.andi %parallel_loop3A_157, %broadcast_in_dim3A_33 : vector<16xi32>
      %parallel_loop3A_159 = vector.bitcast %parallel_loop3A_158 : vector<16xi32> to vector<16xf32>
      %parallel_loop3A_160 = arith.shli %parallel_loop3A_157, %broadcast_in_dim3A_35 : vector<16xi32>
      %parallel_loop3A_161 = vector.bitcast %parallel_loop3A_160 : vector<16xi32> to vector<16xf32>
      %parallel_loop3A_162 = tpu.vector_load_idx %arg5[%parallel_loop3A_156] : memref<8208xi32, #tpu.memory_space<vmem>>[vector<16xi32>], vector<16xi32>,
      %parallel_loop3A_163 = arith.andi %parallel_loop3A_162, %broadcast_in_dim3A_33 : vector<16xi32>
      %parallel_loop3A_164 = vector.bitcast %parallel_loop3A_163 : vector<16xi32> to vector<16xf32>
      %parallel_loop3A_165 = arith.shli %parallel_loop3A_162, %broadcast_in_dim3A_35 : vector<16xi32>
      %parallel_loop3A_166 = vector.bitcast %parallel_loop3A_165 : vector<16xi32> to vector<16xf32>
      %parallel_loop3A_167 = arith.subf %parallel_loop3A_159, %parallel_loop3A_164 : vector<16xf32>
      %parallel_loop3A_168 = arith.subf %parallel_loop3A_161, %parallel_loop3A_166 : vector<16xf32>
      %parallel_loop3A_169 = arith.mulf %parallel_loop3A_167, %parallel_loop3A_167 : vector<16xf32>
      %parallel_loop3A_170 = arith.mulf %parallel_loop3A_168, %parallel_loop3A_168 : vector<16xf32>
      %parallel_loop3A_171 = arith.addf %parallel_loop3A_169, %parallel_loop3A_170 : vector<16xf32>
      %parallel_loop3A_172 = arith.addf %parallel_loop3A_87, %parallel_loop3A_171 : vector<16xf32>
      %parallel_loop3A_173 = arith.constant 0.000000e+00 : f32
      %parallel_loop3A_174 = vector.broadcast %parallel_loop3A_173 : f32 to vector<16xf32>
      %parallel_loop3A_175 = arith.subf %parallel_loop3A_174, %parallel_loop3A_171 : vector<16xf32>
      %parallel_loop3A_176 = math.exp %parallel_loop3A_175 : vector<16xf32>
      %parallel_loop3A_177 = arith.addf %parallel_loop3A_88, %parallel_loop3A_176 : vector<16xf32>
      %parallel_loop3A_178 = arith.constant 3 : i32
      %parallel_loop3A_179 = arith.addi %parallel_loop3A_82, %parallel_loop3A_178 : i32
      %parallel_loop3A_180 = arith.constant 16 : i32
      %parallel_loop3A_181 = arith.muli %parallel_loop3A_179, %parallel_loop3A_180 : i32
      %parallel_loop3A_182 = arith.index_cast %parallel_loop3A_181 : i32 to index
      %parallel_loop3A_183 = tpu.vector_load %arg4[%parallel_loop3A_182] {strides = array<i32>} : memref<8192xi32, #tpu.memory_space<vmem>>, vector<16xi32>,
      %parallel_loop3A_184 = arith.shrui %parallel_loop3A_183, %broadcast_in_dim3A_31 : vector<16xi32>
      %parallel_loop3A_185 = arith.andi %parallel_loop3A_183, %broadcast_in_dim3A_29 : vector<16xi32>
      %parallel_loop3A_186 = tpu.vector_load_idx %arg5[%parallel_loop3A_184] : memref<8208xi32, #tpu.memory_space<vmem>>[vector<16xi32>], vector<16xi32>,
      %parallel_loop3A_187 = arith.andi %parallel_loop3A_186, %broadcast_in_dim3A_33 : vector<16xi32>
      %parallel_loop3A_188 = vector.bitcast %parallel_loop3A_187 : vector<16xi32> to vector<16xf32>
      %parallel_loop3A_189 = arith.shli %parallel_loop3A_186, %broadcast_in_dim3A_35 : vector<16xi32>
      %parallel_loop3A_190 = vector.bitcast %parallel_loop3A_189 : vector<16xi32> to vector<16xf32>
      %parallel_loop3A_191 = tpu.vector_load_idx %arg5[%parallel_loop3A_185] : memref<8208xi32, #tpu.memory_space<vmem>>[vector<16xi32>], vector<16xi32>,
      %parallel_loop3A_192 = arith.andi %parallel_loop3A_191, %broadcast_in_dim3A_33 : vector<16xi32>
      %parallel_loop3A_193 = vector.bitcast %parallel_loop3A_192 : vector<16xi32> to vector<16xf32>
      %parallel_loop3A_194 = arith.shli %parallel_loop3A_191, %broadcast_in_dim3A_35 : vector<16xi32>
      %parallel_loop3A_195 = vector.bitcast %parallel_loop3A_194 : vector<16xi32> to vector<16xf32>
      %parallel_loop3A_196 = arith.subf %parallel_loop3A_188, %parallel_loop3A_193 : vector<16xf32>
      %parallel_loop3A_197 = arith.subf %parallel_loop3A_190, %parallel_loop3A_195 : vector<16xf32>
      %parallel_loop3A_198 = arith.mulf %parallel_loop3A_196, %parallel_loop3A_196 : vector<16xf32>
      %parallel_loop3A_199 = arith.mulf %parallel_loop3A_197, %parallel_loop3A_197 : vector<16xf32>
      %parallel_loop3A_200 = arith.addf %parallel_loop3A_198, %parallel_loop3A_199 : vector<16xf32>
      %parallel_loop3A_201 = arith.addf %parallel_loop3A_89, %parallel_loop3A_200 : vector<16xf32>
      %parallel_loop3A_202 = arith.constant 0.000000e+00 : f32
      %parallel_loop3A_203 = vector.broadcast %parallel_loop3A_202 : f32 to vector<16xf32>
      %parallel_loop3A_204 = arith.subf %parallel_loop3A_203, %parallel_loop3A_200 : vector<16xf32>
      %parallel_loop3A_205 = math.exp %parallel_loop3A_204 : vector<16xf32>
      %parallel_loop3A_206 = arith.addf %parallel_loop3A_90, %parallel_loop3A_205 : vector<16xf32>
      scf.yield %parallel_loop3A_114, %parallel_loop3A_119, %parallel_loop3A_143, %parallel_loop3A_148, %parallel_loop3A_172, %parallel_loop3A_177, %parallel_loop3A_201, %parallel_loop3A_206 : vector<16xf32>, vector<16xf32>, vector<16xf32>, vector<16xf32>, vector<16xf32>, vector<16xf32>, vector<16xf32>, vector<16xf32>
    } {sc.loop_unroll_factor = 4 : i64, sc.parallel_access}
    %add3A_61 = arith.addf %parallel_loop3A_60#0, %parallel_loop3A_60#2 : vector<16xf32>
    %add3A_62 = arith.addf %add3A_61, %parallel_loop3A_60#4 : vector<16xf32>
    %add3A_63 = arith.addf %add3A_62, %parallel_loop3A_60#6 : vector<16xf32>
    %add3A_64 = arith.addf %parallel_loop3A_60#1, %parallel_loop3A_60#3 : vector<16xf32>
    %add3A_65 = arith.addf %add3A_64, %parallel_loop3A_60#5 : vector<16xf32>
    %add3A_66 = arith.addf %add3A_65, %parallel_loop3A_60#7 : vector<16xf32>
    %swap3A = arith.constant 0 : index
    %swap3A_67 = tpu.vector_load %arg6[%swap3A] {strides = array<i32>} : memref<16xf32, #tpu.memory_space<vmem>>, vector<16xf32>,
    tpu.vector_store %arg6[%swap3A], %add3A_63 {strides = array<i32>} : memref<16xf32, #tpu.memory_space<vmem>>, vector<16xf32>,
    %swap3A_68 = arith.constant 0 : index
    %swap3A_69 = tpu.vector_load %arg7[%swap3A_68] {strides = array<i32>} : memref<16xf32, #tpu.memory_space<vmem>>, vector<16xf32>,
    tpu.vector_store %arg7[%swap3A_68], %add3A_66 {strides = array<i32>} : memref<16xf32, #tpu.memory_space<vmem>>, vector<16xf32>,
    %mul3A_70 = arith.constant 16 : i32
    %mul3A_71 = arith.muli %arg1, %mul3A_70 : i32
    "tpu.region"() ({
      %run_scoped3A = tpu.sem_alloc : memref<!tpu.dma_semaphore, #tpu.memory_space<semaphore_mem>>
      %dma_start3A_82 = tpu.memref_slice %arg9[%mul3A_71] : memref<512xf32, #tpu.memory_space<vmem_shared>> -> memref<16xf32, #tpu.memory_space<vmem_shared>>
      %dma_start3A_83 = tpu.memref_slice %arg9[%mul3A_71] : memref<512xf32, #tpu.memory_space<vmem_shared>> -> memref<16xf32, #tpu.memory_space<vmem_shared>>
      tpu.enqueue_dma source(%arg6 : memref<16xf32, #tpu.memory_space<vmem>>) target(%dma_start3A_83 : memref<16xf32, #tpu.memory_space<vmem_shared>>) target_semaphore(%run_scoped3A : memref<!tpu.dma_semaphore, #tpu.memory_space<semaphore_mem>>)
      %dma_wait3A_84 = tpu.memref_slice %arg9[%mul3A_71] : memref<512xf32, #tpu.memory_space<vmem_shared>> -> memref<16xf32, #tpu.memory_space<vmem_shared>>
      %dma_wait3A_85 = tpu.memref_slice %arg9[%mul3A_71] : memref<512xf32, #tpu.memory_space<vmem_shared>> -> memref<16xf32, #tpu.memory_space<vmem_shared>>
      tpu.wait_dma2 semaphore(%run_scoped3A : memref<!tpu.dma_semaphore, #tpu.memory_space<semaphore_mem>>) src(%arg6 : memref<16xf32, #tpu.memory_space<vmem>>) dst(%dma_wait3A_85 : memref<16xf32, #tpu.memory_space<vmem_shared>>)
      tpu.yield
    }) : () -> ()
    %add3A_72 = arith.constant 16 : i32
    %add3A_73 = arith.addi %add3A_72, %arg1 : i32
    %mul3A_74 = arith.constant 16 : i32
    %mul3A_75 = arith.muli %add3A_73, %mul3A_74 : i32
    "tpu.region"() ({
      %run_scoped3A = tpu.sem_alloc : memref<!tpu.dma_semaphore, #tpu.memory_space<semaphore_mem>>
      %dma_start3A_82 = tpu.memref_slice %arg9[%mul3A_75] : memref<512xf32, #tpu.memory_space<vmem_shared>> -> memref<16xf32, #tpu.memory_space<vmem_shared>>
      %dma_start3A_83 = tpu.memref_slice %arg9[%mul3A_75] : memref<512xf32, #tpu.memory_space<vmem_shared>> -> memref<16xf32, #tpu.memory_space<vmem_shared>>
      tpu.enqueue_dma source(%arg7 : memref<16xf32, #tpu.memory_space<vmem>>) target(%dma_start3A_83 : memref<16xf32, #tpu.memory_space<vmem_shared>>) target_semaphore(%run_scoped3A : memref<!tpu.dma_semaphore, #tpu.memory_space<semaphore_mem>>)
      %dma_wait3A_84 = tpu.memref_slice %arg9[%mul3A_75] : memref<512xf32, #tpu.memory_space<vmem_shared>> -> memref<16xf32, #tpu.memory_space<vmem_shared>>
      %dma_wait3A_85 = tpu.memref_slice %arg9[%mul3A_75] : memref<512xf32, #tpu.memory_space<vmem_shared>> -> memref<16xf32, #tpu.memory_space<vmem_shared>>
      tpu.wait_dma2 semaphore(%run_scoped3A : memref<!tpu.dma_semaphore, #tpu.memory_space<semaphore_mem>>) src(%arg7 : memref<16xf32, #tpu.memory_space<vmem>>) dst(%dma_wait3A_85 : memref<16xf32, #tpu.memory_space<vmem_shared>>)
      tpu.yield
    }) : () -> ()
    %barrier3A_76 = arith.constant 0 : index
    tpu.barrier barrier_id(%barrier3A_76)
    %eq3A_77 = arith.constant 0 : i32
    %eq3A_78 = arith.cmpi eq, %arg1, %eq3A_77 : i32
    %convert_element_type3A_79 = arith.extui %eq3A_78 : i1 to i32
    %cond3A_80 = arith.constant 0 : i32
    %cond3A_81 = arith.cmpi ne, %convert_element_type3A_79, %cond3A_80 : i32
    scf.if %cond3A_81 {
      "tpu.region"() ({
        %run_scoped3A = tpu.sem_alloc : memref<!tpu.dma_semaphore, #tpu.memory_space<semaphore_mem>>
        tpu.enqueue_dma source(%arg9 : memref<512xf32, #tpu.memory_space<vmem_shared>>) target(%arg8 : memref<512xf32, #tpu.memory_space<vmem>>) target_semaphore(%run_scoped3A : memref<!tpu.dma_semaphore, #tpu.memory_space<semaphore_mem>>)
        tpu.wait_dma2 semaphore(%run_scoped3A : memref<!tpu.dma_semaphore, #tpu.memory_space<semaphore_mem>>) src(%arg9 : memref<512xf32, #tpu.memory_space<vmem_shared>>) dst(%arg8 : memref<512xf32, #tpu.memory_space<vmem>>)
        tpu.yield
      }) : () -> ()
      %get3A = arith.constant 0 : index
      %get3A_82 = tpu.vector_load %arg8[%get3A] {strides = array<i32>} : memref<512xf32, #tpu.memory_space<vmem>>, vector<16xf32>,
      %get3A_83 = arith.constant 256 : index
      %get3A_84 = tpu.vector_load %arg8[%get3A_83] {strides = array<i32>} : memref<512xf32, #tpu.memory_space<vmem>>, vector<16xf32>,
      %get3A_85 = arith.constant 16 : index
      %get3A_86 = tpu.vector_load %arg8[%get3A_85] {strides = array<i32>} : memref<512xf32, #tpu.memory_space<vmem>>, vector<16xf32>,
      %add3A_87 = arith.addf %get3A_82, %get3A_86 : vector<16xf32>
      %get3A_88 = arith.constant 272 : index
      %get3A_89 = tpu.vector_load %arg8[%get3A_88] {strides = array<i32>} : memref<512xf32, #tpu.memory_space<vmem>>, vector<16xf32>,
      %add3A_90 = arith.addf %get3A_84, %get3A_89 : vector<16xf32>
      %get3A_91 = arith.constant 32 : index
      %get3A_92 = tpu.vector_load %arg8[%get3A_91] {strides = array<i32>} : memref<512xf32, #tpu.memory_space<vmem>>, vector<16xf32>,
      %add3A_93 = arith.addf %add3A_87, %get3A_92 : vector<16xf32>
      %get3A_94 = arith.constant 288 : index
      %get3A_95 = tpu.vector_load %arg8[%get3A_94] {strides = array<i32>} : memref<512xf32, #tpu.memory_space<vmem>>, vector<16xf32>,
      %add3A_96 = arith.addf %add3A_90, %get3A_95 : vector<16xf32>
      %get3A_97 = arith.constant 48 : index
      %get3A_98 = tpu.vector_load %arg8[%get3A_97] {strides = array<i32>} : memref<512xf32, #tpu.memory_space<vmem>>, vector<16xf32>,
      %add3A_99 = arith.addf %add3A_93, %get3A_98 : vector<16xf32>
      %get3A_100 = arith.constant 304 : index
      %get3A_101 = tpu.vector_load %arg8[%get3A_100] {strides = array<i32>} : memref<512xf32, #tpu.memory_space<vmem>>, vector<16xf32>,
      %add3A_102 = arith.addf %add3A_96, %get3A_101 : vector<16xf32>
      %get3A_103 = arith.constant 64 : index
      %get3A_104 = tpu.vector_load %arg8[%get3A_103] {strides = array<i32>} : memref<512xf32, #tpu.memory_space<vmem>>, vector<16xf32>,
      %add3A_105 = arith.addf %add3A_99, %get3A_104 : vector<16xf32>
      %get3A_106 = arith.constant 320 : index
      %get3A_107 = tpu.vector_load %arg8[%get3A_106] {strides = array<i32>} : memref<512xf32, #tpu.memory_space<vmem>>, vector<16xf32>,
      %add3A_108 = arith.addf %add3A_102, %get3A_107 : vector<16xf32>
      %get3A_109 = arith.constant 80 : index
      %get3A_110 = tpu.vector_load %arg8[%get3A_109] {strides = array<i32>} : memref<512xf32, #tpu.memory_space<vmem>>, vector<16xf32>,
      %add3A_111 = arith.addf %add3A_105, %get3A_110 : vector<16xf32>
      %get3A_112 = arith.constant 336 : index
      %get3A_113 = tpu.vector_load %arg8[%get3A_112] {strides = array<i32>} : memref<512xf32, #tpu.memory_space<vmem>>, vector<16xf32>,
      %add3A_114 = arith.addf %add3A_108, %get3A_113 : vector<16xf32>
      %get3A_115 = arith.constant 96 : index
      %get3A_116 = tpu.vector_load %arg8[%get3A_115] {strides = array<i32>} : memref<512xf32, #tpu.memory_space<vmem>>, vector<16xf32>,
      %add3A_117 = arith.addf %add3A_111, %get3A_116 : vector<16xf32>
      %get3A_118 = arith.constant 352 : index
      %get3A_119 = tpu.vector_load %arg8[%get3A_118] {strides = array<i32>} : memref<512xf32, #tpu.memory_space<vmem>>, vector<16xf32>,
      %add3A_120 = arith.addf %add3A_114, %get3A_119 : vector<16xf32>
      %get3A_121 = arith.constant 112 : index
      %get3A_122 = tpu.vector_load %arg8[%get3A_121] {strides = array<i32>} : memref<512xf32, #tpu.memory_space<vmem>>, vector<16xf32>,
      %add3A_123 = arith.addf %add3A_117, %get3A_122 : vector<16xf32>
      %get3A_124 = arith.constant 368 : index
      %get3A_125 = tpu.vector_load %arg8[%get3A_124] {strides = array<i32>} : memref<512xf32, #tpu.memory_space<vmem>>, vector<16xf32>,
      %add3A_126 = arith.addf %add3A_120, %get3A_125 : vector<16xf32>
      %get3A_127 = arith.constant 128 : index
      %get3A_128 = tpu.vector_load %arg8[%get3A_127] {strides = array<i32>} : memref<512xf32, #tpu.memory_space<vmem>>, vector<16xf32>,
      %add3A_129 = arith.addf %add3A_123, %get3A_128 : vector<16xf32>
      %get3A_130 = arith.constant 384 : index
      %get3A_131 = tpu.vector_load %arg8[%get3A_130] {strides = array<i32>} : memref<512xf32, #tpu.memory_space<vmem>>, vector<16xf32>,
      %add3A_132 = arith.addf %add3A_126, %get3A_131 : vector<16xf32>
      %get3A_133 = arith.constant 144 : index
      %get3A_134 = tpu.vector_load %arg8[%get3A_133] {strides = array<i32>} : memref<512xf32, #tpu.memory_space<vmem>>, vector<16xf32>,
      %add3A_135 = arith.addf %add3A_129, %get3A_134 : vector<16xf32>
      %get3A_136 = arith.constant 400 : index
      %get3A_137 = tpu.vector_load %arg8[%get3A_136] {strides = array<i32>} : memref<512xf32, #tpu.memory_space<vmem>>, vector<16xf32>,
      %add3A_138 = arith.addf %add3A_132, %get3A_137 : vector<16xf32>
      %get3A_139 = arith.constant 160 : index
      %get3A_140 = tpu.vector_load %arg8[%get3A_139] {strides = array<i32>} : memref<512xf32, #tpu.memory_space<vmem>>, vector<16xf32>,
      %add3A_141 = arith.addf %add3A_135, %get3A_140 : vector<16xf32>
      %get3A_142 = arith.constant 416 : index
      %get3A_143 = tpu.vector_load %arg8[%get3A_142] {strides = array<i32>} : memref<512xf32, #tpu.memory_space<vmem>>, vector<16xf32>,
      %add3A_144 = arith.addf %add3A_138, %get3A_143 : vector<16xf32>
      %get3A_145 = arith.constant 176 : index
      %get3A_146 = tpu.vector_load %arg8[%get3A_145] {strides = array<i32>} : memref<512xf32, #tpu.memory_space<vmem>>, vector<16xf32>,
      %add3A_147 = arith.addf %add3A_141, %get3A_146 : vector<16xf32>
      %get3A_148 = arith.constant 432 : index
      %get3A_149 = tpu.vector_load %arg8[%get3A_148] {strides = array<i32>} : memref<512xf32, #tpu.memory_space<vmem>>, vector<16xf32>,
      %add3A_150 = arith.addf %add3A_144, %get3A_149 : vector<16xf32>
      %get3A_151 = arith.constant 192 : index
      %get3A_152 = tpu.vector_load %arg8[%get3A_151] {strides = array<i32>} : memref<512xf32, #tpu.memory_space<vmem>>, vector<16xf32>,
      %add3A_153 = arith.addf %add3A_147, %get3A_152 : vector<16xf32>
      %get3A_154 = arith.constant 448 : index
      %get3A_155 = tpu.vector_load %arg8[%get3A_154] {strides = array<i32>} : memref<512xf32, #tpu.memory_space<vmem>>, vector<16xf32>,
      %add3A_156 = arith.addf %add3A_150, %get3A_155 : vector<16xf32>
      %get3A_157 = arith.constant 208 : index
      %get3A_158 = tpu.vector_load %arg8[%get3A_157] {strides = array<i32>} : memref<512xf32, #tpu.memory_space<vmem>>, vector<16xf32>,
      %add3A_159 = arith.addf %add3A_153, %get3A_158 : vector<16xf32>
      %get3A_160 = arith.constant 464 : index
      %get3A_161 = tpu.vector_load %arg8[%get3A_160] {strides = array<i32>} : memref<512xf32, #tpu.memory_space<vmem>>, vector<16xf32>,
      %add3A_162 = arith.addf %add3A_156, %get3A_161 : vector<16xf32>
      %get3A_163 = arith.constant 224 : index
      %get3A_164 = tpu.vector_load %arg8[%get3A_163] {strides = array<i32>} : memref<512xf32, #tpu.memory_space<vmem>>, vector<16xf32>,
      %add3A_165 = arith.addf %add3A_159, %get3A_164 : vector<16xf32>
      %get3A_166 = arith.constant 480 : index
      %get3A_167 = tpu.vector_load %arg8[%get3A_166] {strides = array<i32>} : memref<512xf32, #tpu.memory_space<vmem>>, vector<16xf32>,
      %add3A_168 = arith.addf %add3A_162, %get3A_167 : vector<16xf32>
      %get3A_169 = arith.constant 240 : index
      %get3A_170 = tpu.vector_load %arg8[%get3A_169] {strides = array<i32>} : memref<512xf32, #tpu.memory_space<vmem>>, vector<16xf32>,
      %add3A_171 = arith.addf %add3A_165, %get3A_170 : vector<16xf32>
      %get3A_172 = arith.constant 496 : index
      %get3A_173 = tpu.vector_load %arg8[%get3A_172] {strides = array<i32>} : memref<512xf32, #tpu.memory_space<vmem>>, vector<16xf32>,
      %add3A_174 = arith.addf %add3A_168, %get3A_173 : vector<16xf32>
      %get3A_175 = arith.constant 8192 : index
      %get3A_176 = tpu.vector_load %arg5[%get3A_175] {strides = array<i32>} : memref<8208xi32, #tpu.memory_space<vmem>>, vector<16xi32>,
      %bitcast3A = vector.bitcast %get3A_176 : vector<16xi32> to vector<16xf32>
      %exp3A = math.exp %bitcast3A : vector<16xf32>
      %broadcast_in_dim3A_177 = arith.constant 8.192000e+03 : f32
      %broadcast_in_dim3A_178 = vector.broadcast %broadcast_in_dim3A_177 : f32 to vector<16xf32>
      %mul3A_179 = arith.mulf %exp3A, %add3A_174 : vector<16xf32>
      %add3A_180 = arith.addf %add3A_171, %mul3A_179 : vector<16xf32>
      %mul3A_181 = arith.mulf %broadcast_in_dim3A_178, %bitcast3A : vector<16xf32>
      %sub3A = arith.subf %add3A_180, %mul3A_181 : vector<16xf32>
      %swap3A_182 = arith.constant 0 : index
      %swap3A_183 = tpu.vector_load %arg6[%swap3A_182] {strides = array<i32>} : memref<16xf32, #tpu.memory_space<vmem>>, vector<16xf32>,
      tpu.vector_store %arg6[%swap3A_182], %sub3A {strides = array<i32>} : memref<16xf32, #tpu.memory_space<vmem>>, vector<16xf32>,
      %mul3A_184 = arith.constant 16 : i32
      %mul3A_185 = arith.muli %arg0, %mul3A_184 : i32
      "tpu.region"() ({
        %run_scoped3A = tpu.sem_alloc : memref<!tpu.dma_semaphore, #tpu.memory_space<semaphore_mem>>
        %dma_start3A_186 = tpu.memref_slice %arg3[%mul3A_185] : memref<32xf32, #tpu.memory_space<hbm>> -> memref<16xf32, #tpu.memory_space<hbm>>
        %dma_start3A_187 = tpu.memref_slice %arg3[%mul3A_185] : memref<32xf32, #tpu.memory_space<hbm>> -> memref<16xf32, #tpu.memory_space<hbm>>
        tpu.enqueue_dma source(%arg6 : memref<16xf32, #tpu.memory_space<vmem>>) target(%dma_start3A_187 : memref<16xf32, #tpu.memory_space<hbm>>) target_semaphore(%run_scoped3A : memref<!tpu.dma_semaphore, #tpu.memory_space<semaphore_mem>>)
        %dma_wait3A_188 = tpu.memref_slice %arg3[%mul3A_185] : memref<32xf32, #tpu.memory_space<hbm>> -> memref<16xf32, #tpu.memory_space<hbm>>
        %dma_wait3A_189 = tpu.memref_slice %arg3[%mul3A_185] : memref<32xf32, #tpu.memory_space<hbm>> -> memref<16xf32, #tpu.memory_space<hbm>>
        tpu.wait_dma2 semaphore(%run_scoped3A : memref<!tpu.dma_semaphore, #tpu.memory_space<semaphore_mem>>) src(%arg6 : memref<16xf32, #tpu.memory_space<vmem>>) dst(%dma_wait3A_189 : memref<16xf32, #tpu.memory_space<hbm>>)
        tpu.yield
      }) : () -> ()
    } else {
    }
    return
  }
}

</mosaic_0001>

<sc_bundles>
// kernel: kernel.3.cloned.1.call-start
scs
__scs_entry_jumppad:
0x0: {  	(pc) =	sbr.rel $0x88, $3  }
0x1: {  	(tag) =	ssettag $0x0;
	lr =	simm.s32 $0x1  }
0x2: {  	[smem:$0x3F9E] =	sst lr;
	_ =	strace $0xD0000000  }
0x3: {  	_ = 	snop  }
0x4: {  	_ = 	snop  }
0x5: {  	_ = 	snop  }
0x6: {  	_ = 	snop  }
0x7: {  	_ = 	snop  }
__scs_overlays_trampoline_lowered:
0x8: {  	[smem:$0x3FAD] =	sst s0  }
0x9: {  	[smem:$0x3FAE] =	sst s1  }
0xa: {  	[smem:$0x3FAF] =	sst s2  }
0xb: {  	[smem:$0x3FB0] =	sst s3  }
0xc: {  	[smem:$0x3FB1] =	sst s4  }
0xd: {  	[smem:$0x3FB2] =	sst s5  }
0xe: {  	[smem:$0x3FB3] =	sst s6  }
0xf: {  	[smem:$0x3FB4] =	sst s7  }
0x10: {  	[smem:$0x3FB5] =	sst s8  }
0x11: {  	[smem:$0x3FB6] =	sst s9;
	s0 =	simm.s32 @!p0 $0x0  }
0x12: {  	s1 =	sld [smem:$0x3F9C];
	s0 =	simm.s32 @p0 $0x1  }
0x13: {  	[smem:$0x3FB7] =	sst s0;
	s0 =	simm.s32 @!p1 $0x0  }
0x14: {  	s2 =	sld [smem:$0x3F9B];
	s0 =	simm.s32 @p1 $0x1  }
0x15: {  	[smem:$0x3FB8] =	sst s0;
	s0 =	simm.s32 @!p2 $0x0  }
0x16: {  	s3 =	sld [smem:$0x3FDB];
	s0 =	simm.s32 @p2 $0x1  }
0x17: {  	s4 =	simm.s32 $0x1BF5;
	[smem:$0x3FBA] =	sst s0  }
0x18: {  	s0 =	sld [smem:$0x3F9D];
	_ =	swait.ge [sflag:s4], $0x0  }
0x19: {  	s7 =	sld [smem:$0x3F9E]  }
0x1a: {  	s8 =	sadd.s32 $0xFFFFE003, lr  }
0x1b: {  	s9 =	sadd.s32 $0xFFFFFEF7, lr;
	s5 =	simm.s32 $0xFFFFFFFF;
	p2 =	slt.u32 s8, $0xFFFFF086  }
0x1c: {  	p1 =	slt.u32 s9, $0xF7A;
	s5 =	simm.s32 @!p2 $0x0  }
0x1d: {  	s5 =	simm.s32 @p1 $0x1;
	p0 =	seq.s32 s7, s2  }
0x1e: {  	s7 =	smul.u32 @!p0 $0xF7A, s2;
	p2 =	seq.s32 @!p0 s5, $0x0  }
0x1f: {  	s9 =	smul.u32 $0xF7A, s1;
	s8 =	simm.s32 @!p0 $0x1BF5;
	p2 =	por !p2, p0  }
0x20: {  	[sflag:s8] =	ssyncset.s32 @!p0 $0xFFFFF086;
	s6 =	sadd.s32 @!p0 s3, s7;
	s7 =	simm.s32 @!p0 $0x108  }
0x21: {  	s3 =	sadd.s32 s3, s9;
	s6 =	sadd.s32 @!p0 $0x88, s6;
	s7 =	simm.s32 @p2 $0x1082  }
0x22: {  	[simem:s7], [sflag:s8] =	dma.local @!p0 [hbm:s6], $0xF7A  }
0x23: {  	s9 =	sor.u32 $0xD0000000, s2;
	s6 =	simm.s32 $0x108;
	_ =	swait.ge @!p0 [sflag:s8], $0x0  }
0x24: {  	s3 =	sadd.s32 $0x88, s3;
	s6 =	simm.s32 @!p1 $0x1082;
	[sflag:s4] =	ssyncset.s32 $0xFFFFF086  }
0x25: {  	[simem:s6], [sflag:s4] =	dma.local [hbm:s3], $0xF7A  }
0x26: {  	[smem:$0x3F9E] =	sst s1;
	(tag) =	ssettag s2;
	_ =	strace s9  }
0x27: {  	s1 =	sld [smem:$0x3FAE]  }
0x28: {  	s2 =	sld [smem:$0x3FAF]  }
0x29: {  	s4 =	sld [smem:$0x3FB1]  }
0x2a: {  	p0 =	seq.s32 s5, $0x0;
	s5 =	sld [smem:$0x3FB2]  }
0x2b: {  	s6 =	sld [smem:$0x3FB3]  }
0x2c: {  	s7 =	sld [smem:$0x3FB4]  }
0x2d: {  	s3 =	simm.s32 $0x108;
	s8 =	sld [smem:$0x3FB5]  }
0x2e: {  	s3 =	simm.s32 @!p0 $0x1082;
	s9 =	sld [smem:$0x3FB6]  }
0x2f: {  	lr =	sadd.s32 s0, s3;
	s0 =	sld [smem:$0x3FAD]  }
0x30: {  	s3 =	sld [smem:$0x3FB0]  }
0x31: {  	[smem:$0x3FB9] =	sst s10  }
0x32: {  	s10 =	sld [smem:$0x3FB7];
	_ =	sdelay $0x3  }
0x33: {  	p0 =	seq.s32 s10, $0x1;
	s10 =	sld [smem:$0x3FB9];
	_ =	sdelay $0x3  }
0x34: {  	[smem:$0x3FB9] =	sst s10  }
0x35: {  	s10 =	sld [smem:$0x3FB8];
	_ =	sdelay $0x3  }
0x36: {  	p1 =	seq.s32 s10, $0x1;
	s10 =	sld [smem:$0x3FB9];
	_ =	sdelay $0x3  }
0x37: {  	[smem:$0x3FB9] =	sst s10  }
0x38: {  	s10 =	sld [smem:$0x3FBA]  }
0x39: {  	_ = 	snop;
	(pc) =	sbr.ind lr, $3  }
0x3a: {  	_ = 	snop  }
0x3b: {  	_ = 	snop  }
0x3c: {  	p2 =	seq.s32 s10, $0x1;
	s10 =	sld [smem:$0x3FB9]  }
0x3d: {  	_ =	shalt  }
0x3e: {  	_ =	shalt  }
0x3f: {  	_ =	shalt  }
0x40: {  	_ =	shalt  }
0x41: {  	_ =	shalt  }
0x42: {  	_ =	shalt  }
0x43: {  	_ =	shalt  }
0x44: {  	_ =	shalt  }
0x45: {  	_ =	shalt  }
0x46: {  	_ =	shalt  }
0x47: {  	_ =	shalt  }
0x48: {  	_ =	shalt  }
0x49: {  	_ =	shalt  }
0x4a: {  	_ =	shalt  }
0x4b: {  	_ =	shalt  }
0x4c: {  	_ =	shalt  }
0x4d: {  	_ =	shalt  }
0x4e: {  	_ =	shalt  }
0x4f: {  	_ =	shalt  }
0x50: {  	_ =	shalt  }
0x51: {  	_ =	shalt  }
0x52: {  	_ =	shalt  }
0x53: {  	_ =	shalt  }
0x54: {  	_ =	shalt  }
0x55: {  	_ =	shalt  }
0x56: {  	_ =	shalt  }
0x57: {  	_ =	shalt  }
0x58: {  	_ =	shalt  }
0x59: {  	_ =	shalt  }
0x5a: {  	_ =	shalt  }
0x5b: {  	_ =	shalt  }
0x5c: {  	_ =	shalt  }
0x5d: {  	_ =	shalt  }
0x5e: {  	_ =	shalt  }
0x5f: {  	_ =	shalt  }
0x60: {  	_ =	shalt  }
0x61: {  	_ =	shalt  }
0x62: {  	_ =	shalt  }
0x63: {  	_ =	shalt  }
0x64: {  	_ =	shalt  }
0x65: {  	_ =	shalt  }
0x66: {  	_ =	shalt  }
0x67: {  	_ =	shalt  }
0x68: {  	_ =	shalt  }
0x69: {  	_ =	shalt  }
0x6a: {  	_ =	shalt  }
0x6b: {  	_ =	shalt  }
0x6c: {  	_ =	shalt  }
0x6d: {  	_ =	shalt  }
0x6e: {  	_ =	shalt  }
0x6f: {  	_ =	shalt  }
0x70: {  	_ =	shalt  }
0x71: {  	_ =	shalt  }
0x72: {  	_ =	shalt  }
0x73: {  	_ =	shalt  }
0x74: {  	_ =	shalt  }
0x75: {  	_ =	shalt  }
0x76: {  	_ =	shalt  }
0x77: {  	_ =	shalt  }
0x78: {  	_ =	shalt  }
0x79: {  	_ =	shalt  }
0x7a: {  	_ =	shalt  }
0x7b: {  	_ =	shalt  }
0x7c: {  	_ =	shalt  }
0x7d: {  	_ =	shalt  }
0x7e: {  	_ =	shalt  }
0x7f: {  	_ =	shalt  }
0x80: {  	_ =	shalt  }
0x81: {  	_ =	shalt  }
0x82: {  	_ =	shalt  }
0x83: {  	_ =	shalt  }
0x84: {  	_ =	shalt  }
0x85: {  	_ =	shalt  }
0x86: {  	_ =	shalt  }
0x87: {  	_ =	shalt  }
.Lfunc_end0:
.L_simem_size_0:
called_computation_lowered:
.L_overlay_start_0:
0x88: {  	s2 =	sld [smem:$0x3FD9]  }
0x89: {  	s3 =	sld [smem:$0x3FFE];
	_ =	sdelay $0x1  }
0x8a: {  	s1 =	srdreg.scid  }
0x8b: {  	s0 =	sand.u32 $0x1, s1  }
0x8c: {  	s16 =	sshll.u32 s0, $0xA;
	s2 =	sadd.s32 s3, s2  }
0x8d: {  	s2 =	sadd.s32 s2, s16  }
0x8e: {  	[smem:$0x3FC5] =	sst s2  }
0x8f: {  	_ = 	snop  }
0x90: {  	(tm) =	ssettm $0x1  }
0x91: {  	s17 =	sld [smem:$0x3FFB];
	_ =	sdelay $0x3  }
0x92: {  	_ =	strace s17  }
0x93: {  	s2 =	sld [smem:$0x3FFC];
	_ =	sdelay $0x3  }
0x94: {  	_ =	strace s2  }
0x95: {  	s2 =	sld [smem:$0x3FFD];
	_ =	sdelay $0x3  }
0x96: {  	_ =	strace s2  }
0x97: {  	_ =	strace $0x8FFFFFFF  }
0x98: {  	s18 =	sld [smem:$0x3FDB];
	_ =	sdelay $0x1  }
0x99: {  	s19 =	simm.s32 $_scs_section_size  }
0x9a: {  	s4 =	simm.s32 $_size__tile_overlayer_lowered;
	s5 =	simm.s32 $_tile_overlayer_lowered  }
0x9b: {  	s22 =	simm.s32 $0x1BFF;
	s21 =	sshll.u32 s5, $0x1;
	s2 =	sadd.s32 s19, s18  }
0x9c: {  	s6 =	simm.s32 $0x0;
	s20 =	sshll.u32 s4, $0x1;
	s4 =	sadd.s32 s21, s2  }
0x9d: {  	[timem:s6], [sflag:s22] =	dma.local [hbm:s4], s20  }
0x9e: {  	_ =	swait.ge [sflag:s22], s20  }
0x9f: {  	s3 =	ssub.s32 $0x0, s20;
	[sflag:s22] =	ssyncset.done $0x0  }
0xa0: {  	[sflag:s22] =	ssyncadd.s32 s3;
	_ =	sdelay $0x1  }
0xa1: {  	s23 =	simm.s32 $0x1B8B  }
0xa2: {  	_ =	swait.ge [sflag:s23], $0x1  }
0xa3: {  	[sflag:s23] =	ssyncset.done $0x0  }
0xa4: {  	s25 =	simm.s32 $0x1B8E;
	s24 =	sld [smem:$0x3FFE];
	[sflag:s23] =	ssyncadd.s32 $0xFFFFFFFF  }
0xa5: {  	s26 =	simm.s32 $execute0_lowered;
	[smem:$0x3FD2] =	sst s25  }
0xa6: {  	s4 =	sshll.u32 s26, $0x1;
	_ =	strace $0x80000046;
	[dreg:$0x1] =	wrdreg $0xFFFFFFFF  }
0xa7: {  	s28 =	simm.s32 $_size_execute0_lowered;
	s2 =	sadd.s32 s2, s4;
	[dreg:$0x0] =	wrdreg $0x0  }
0xa8: {  	s4 =	sshll.u32 s28, $0x1;
	[dreg:$0x2] =	wrdreg s2  }
0xa9: {  	[dreg:$0x3] =	wrdreg s4  }
0xaa: {  	[dreg:$0x4] =	wrdreg $0xC0  }
0xab: {  	_ =	task [dreg:s6], $0x5FFFF  }
0xac: {  	[dreg:$0x1] =	wrdreg $0xFFFFFFFF  }
0xad: {  	[dreg:$0x0] =	wrdreg $0x60  }
0xae: {  	[dreg:$0x2] =	wrdreg s24  }
0xaf: {  	[dreg:$0x3] =	wrdreg $0x43A00  }
0xb0: {  	[dreg:$0x4] =	wrdreg $0x43800  }
0xb1: {  	[dreg:$0x5] =	wrdreg $0x9  }
0xb2: {  	_ =	task.clear_ibuf [dreg:s6], $0x6FFFF;
	_ =	strace $0x90000046  }
0xb3: {  	s29 =	simm.s32 $0x9;
	_ =	strace $0x80000048  }
0xb4: {  	_ =	swait.ge [sflag:s29], $0x1  }
0xb5: {  	[sflag:s29] =	ssyncadd.s32 $0xFFFFFFFF  }
0xb6: {  	_ =	strace $0x90000048  }
0xb7: {  	_ =	sfence  }
0xb8: {  	s30 =	sld [smem:$0x0];
	_ =	sdelay $0x2  }
0xb9: {  	s31 =	sshll.u32 s1, $0xD;
	s1 =	sshrl.u32 s1, $0x2  }
0xba: {  	s3 =	sand.u32 $0x4000, s31;
	s1 =	sadd.s32 s1, s30  }
0xbb: {  	s0 =	sor.u32 s3, s0;
	s1 =	sshll.u32 s1, $0x11  }
0xbc: {  	s0 =	sor.u32 s1, s0  }
0xbd: {  	s0 =	sadd.s32 $0x8F2B, s0  }
0xbe: {  	[sflag:s0] =	ssyncadd.remote.s32 $0x1  }
0xbf: {  	_ =	sfence.sel $0xFFFF  }
0xc0: {  	[dreg:$0x0] =	wrdreg $0xFFFFFFFF;
	(pc) =	sbr.abs _section_cstart, $3  }
0xc1: {  	[dreg:$0x1] =	wrdreg $0xFFFFFFFF  }
0xc2: {  	_ =	task.clear_ibuf [dreg:s6], $0x2FFFF;
	_ =	strace $0x9FFFFFFF  }
0xc3: {  	(tm) =	ssettm $0x7FFFFFFF  }
tec
execute0_lowered:
.L_overlay_start_1:
0x0: {  	(tag) =	ssettag $0x1  }
0x1: {  	s7 =	rddreg [dreg:$0x0]  }
0x2: {  	s1 =	rddreg [dreg:$0x1]  }
0x3: {  	s2 =	rddreg [dreg:$0x2];
	s4 =	srdreg.scid  }
0x4: {  	s0 =	rddreg [dreg:$0x3];
	s3 =	simm.s32 $0x0;
	s11 =	stileid.u32  }
0x5: {  	s12 =	simm.s32 $0x1;
	s13 =	simm.s32 $0x2000;
	s14 =	simm.s32 $0x2  }
0x6: {  	s15 =	simm.s32 $0x4080;
	s16 =	simm.s32 $0x3;
	s17 =	simm.s32 $0x4100  }
0x7: {  	s18 =	simm.s32 $0x4180;
	s19 =	simm.s32 $0x0;
	s4 =	sand.u32 $0x1, s4  }
0x8: {  	[smem:$0x7FF] =	sst s3;
	s6 =	sshll.u32 s11, $0xB;
	s31 =	sshll.u32 s11, $0x4  }
0x9: {  	p0 =	sne.s32 s11, $0x0;
	s11 =	simm.s32 $0x1000;
	s5 =	sshll.u32 s4, $0x1  }
.Ltmp0:
0xa: {  	_ =	strace $0x80000047;
	s30 =	ssub.s32 $0x2, s4;
	(pc) =	sbr.rel .LBB2_1-.Ltmp0, $4  }
0xb: {  	s4 =	sshll.u32 s4, $0xA;
	s9 =	sadd.s32 s5, s7;
	s8 =	sshrl.u32 s30, $0x1  }
0xc: {  	s4 =	sor.u32 s4, s6;
	s5 =	sadd.s32 s31, s2;
	s10 =	ssub.s32 s30, s8  }
0xd: {  	s4 =	sadd.s32 s7, s4;
	s7 =	sadd.s32 $0x8000, s7;
	s8 =	sadd.s32 $0x100, s5  }
0xe: {  	s9 =	sadd.s32 $0x8600, s9;
	s6 =	sadd.s32 $0x200, s4;
	s10 =	smax.u32 s10, $0x1  }
.LBB2_7:
0xf: {  	s19 =	sadd.s32 $0x1, s19  }
0x10: {  	p1 =	sne.s32 s19, s10  }
.Ltmp1:
0x11: {  	_ = 	snop;
	(pc) =	sbr.rel @!p1 .LBB2_8-.Ltmp1, $1  }
0x12: {  	_ =	sdelay $0x3  }
.LBB2_1:
0x13: {  	[tilespmem:s3], [sflag:$0x1] =	stream.linear.gather [hbm4b:s4+s3], $0x1000, $0x38;
	[tilespmem:$0x45A8] =	vst v63  }
0x14: {  	_ = 	snop  }
0x15: {  	[tilespmem:s11], [sflag:$0x2] =	stream.linear.gather [hbm4b:s6+s3], $0x1000, $0x38;
	[tilespmem:$0x45A8] =	vst v63  }
0x16: {  	s20 =	simm.s32 @p0 $0x2000;
	[bflag:$0x0] =	sbarrier.arrive @p0 $0xFFFF  }
0x17: {  	[tilespmem:s20], [sflag:$0x3] =	stream.linear.gather @p0 [spmem:s1], $0x2080, $0x38;
	[tilespmem:$0x45A8] =	vst v63  }
0x18: {  	s20 =	simm.s32 @p0 $0x3  }
0x19: {  	_ =	swait.ge @p0 [sflag:s20], $0x2080  }
0x1a: {  	[sflag:s20] =	ssyncset.done @p0 $0x0  }
0x1b: {  	s21 =	simm.s32 @!p0 $0x2000;
	[sflag:s20] =	ssyncadd.s32 @p0 $0xFFFFDF80;
	s20 =	simm.s32 @!p0 $0x0  }
0x1c: {  	[tilespmem:s21], [sflag:$0x3] =	stream.linear.gather @!p0 [hbm4b:s7+s20], $0x2010, $0x38;
	[tilespmem:$0x45A8] =	vst v63  }
0x1d: {  	s20 =	simm.s32 @!p0 $0x3  }
0x1e: {  	_ =	swait.ge @!p0 [sflag:s20], $0x2010  }
0x1f: {  	[sflag:s20] =	ssyncset.done @!p0 $0x0  }
0x20: {  	[sflag:s20] =	ssyncadd.s32 @!p0 $0xFFFFDFF0  }
0x21: {  	[spmem:s1] =	stream.linear.scatter @!p0 [tilespmem:s21], [sflag:$0x3], $0x2080, $0x38;
	[tilespmem:$0x45A8] =	vst v63  }
0x22: {  	_ =	swait.ge @!p0 [sflag:s20], $0x2080  }
0x23: {  	[sflag:s20] =	ssyncset.done @!p0 $0x0  }
0x24: {  	[sflag:s20] =	ssyncadd.s32 @!p0 $0xFFFFDF80  }
0x25: {  	[bflag:$0x0] =	sbarrier.arrive @!p0 $0xFFFF  }
0x26: {  	_ =	swait.ge [sflag:s12], $0x1000  }
0x27: {  	[sflag:s12] =	ssyncset.done $0x0  }
0x28: {  	s31 =	simm.s32 $0x80;
	[sflag:s12] =	ssyncadd.s32 $0xFFFFF000  }
0x29: {  	v0 =	vld [tilespmem:s31+$0x40]  }
0x2a: {  	v1 =	vld [tilespmem:s31+$0x50]  }
0x2b: {  	v2 =	vld [tilespmem:s31+$0x60]  }
0x2c: {  	v3 =	vld [tilespmem:s31+$0x70]  }
0x2d: {  	v4 =	vld [tilespmem:s31+$0x0]  }
0x2e: {  	v5 =	vld [tilespmem:s31+$0x10]  }
0x2f: {  	v6 =	vld [tilespmem:s31+$0x20]  }
0x30: {  	v7 =	vld [tilespmem:s31+$0x30]  }
0x31: {  	v8 =	vld [tilespmem:s31+$0xFFFFFFC0]  }
0x32: {  	v9 =	vld [tilespmem:s31+$0xFFFFFFD0]  }
0x33: {  	v10 =	vld [tilespmem:s31+$0xFFFFFFE0]  }
0x34: {  	v12 =	vld [tilespmem:s31+$0xFFFFFFF0];
	v11 =	vshrl.u32 v0, $0xD  }
0x35: {  	v13 =	vld [tilespmem:s31+$0xFFFFFF80];
	v0 =	vand.u32 $0x1FFF, v0  }
0x36: {  	v15 =	vld [tilespmem:s31+$0xFFFFFF90];
	v14 =	vshrl.u32 v1, $0xD  }
0x37: {  	v16 =	vld [tilespmem:s31+$0xFFFFFFA0];
	v1 =	vand.u32 $0x1FFF, v1  }
0x38: {  	v17 =	vld [tilespmem:s31+$0xFFFFFFB0];
	v18 =	vshrl.u32 v2, $0xD  }
0x39: {  	v2 =	vand.u32 $0x1FFF, v2;
	v11 =	vld.idx.msk [tilespmem:v11+s13+$0x0], $0xffff  }
0x3a: {  	v61 =	vshrl.u32 v3, $0xD;
	v19 =	vld.idx.msk [tilespmem:v0+s13+$0x0], $0xffff  }
0x3b: {  	v3 =	vand.u32 $0x1FFF, v3;
	v14 =	vld.idx.msk [tilespmem:v14+s13+$0x0], $0xffff  }
0x3c: {  	v20 =	vshrl.u32 v4, $0xD;
	v1 =	vld.idx.msk [tilespmem:v1+s13+$0x0], $0xffff  }
0x3d: {  	v4 =	vand.u32 $0x1FFF, v4;
	v18 =	vld.idx.msk [tilespmem:v18+s13+$0x0], $0xffff  }
0x3e: {  	v21 =	vshrl.u32 v5, $0xD;
	v2 =	vld.idx.msk [tilespmem:v2+s13+$0x0], $0xffff  }
0x3f: {  	v5 =	vand.u32 $0x1FFF, v5;
	v22 =	vld.idx.msk [tilespmem:v61+s13+$0x0], $0xffff  }
0x40: {  	v23 =	vshrl.u32 v6, $0xD;
	v3 =	vld.idx.msk [tilespmem:v3+s13+$0x0], $0xffff  }
0x41: {  	v6 =	vand.u32 $0x1FFF, v6;
	v24 =	vshrl.u32 v8, $0xD;
	v25 =	vshrl.u32 v7, $0xD;
	v20 =	vld.idx.msk [tilespmem:v20+s13+$0x0], $0xffff  }
0x42: {  	v7 =	vand.u32 $0x1FFF, v7;
	v8 =	vand.u32 $0x1FFF, v8;
	v26 =	vshrl.u32 v9, $0xD;
	v4 =	vld.idx.msk [tilespmem:v4+s13+$0x0], $0xffff  }
0x43: {  	v9 =	vand.u32 $0x1FFF, v9;
	v27 =	vshrl.u32 v10, $0xD;
	v10 =	vand.u32 $0x1FFF, v10;
	v21 =	vld.idx.msk [tilespmem:v21+s13+$0x0], $0xffff  }
0x44: {  	v28 =	vshrl.u32 v12, $0xD;
	v29 =	vshrl.u32 v13, $0xD;
	v13 =	vand.u32 $0x1FFF, v13;
	v5 =	vld.idx.msk [tilespmem:v5+s13+$0x0], $0xffff  }
0x45: {  	v12 =	vand.u32 $0x1FFF, v12;
	v30 =	vshrl.u32 v15, $0xD;
	v15 =	vand.u32 $0x1FFF, v15;
	v23 =	vld.idx.msk [tilespmem:v23+s13+$0x0], $0xffff  }
0x46: {  	v31 =	vshrl.u32 v16, $0xD;
	v16 =	vand.u32 $0x1FFF, v16;
	v32 =	vshrl.u32 v17, $0xD;
	v6 =	vld.idx.msk [tilespmem:v6+s13+$0x0], $0xffff  }
0x47: {  	v17 =	vand.u32 $0x1FFF, v17;
	v61 =	vimm.f32 $0.0e+00;
	v25 =	vld.idx.msk [tilespmem:v25+s13+$0x0], $0xffff;
	v33 =	vand.u32 $0xFFFF0000, v11  }
0x48: {  	v7 =	vld.idx.msk [tilespmem:v7+s13+$0x0], $0xffff;
	v11 =	vshll.u32 v11, $0x10;
	v34 =	vand.u32 $0xFFFF0000, v19;
	v19 =	vshll.u32 v19, $0x10  }
0x49: {  	v24 =	vld.idx.msk [tilespmem:v24+s13+$0x0], $0xffff;
	v35 =	vand.u32 $0xFFFF0000, v14;
	v14 =	vshll.u32 v14, $0x10;
	v36 =	vand.u32 $0xFFFF0000, v1  }
0x4a: {  	v8 =	vld.idx.msk [tilespmem:v8+s13+$0x0], $0xffff;
	v1 =	vshll.u32 v1, $0x10;
	v37 =	vand.u32 $0xFFFF0000, v18;
	v18 =	vshll.u32 v18, $0x10  }
0x4b: {  	v26 =	vld.idx.msk [tilespmem:v26+s13+$0x0], $0xffff;
	v38 =	vand.u32 $0xFFFF0000, v2;
	v2 =	vshll.u32 v2, $0x10;
	v39 =	vand.u32 $0xFFFF0000, v22  }
0x4c: {  	v9 =	vld.idx.msk [tilespmem:v9+s13+$0x0], $0xffff;
	v22 =	vshll.u32 v22, $0x10;
	v40 =	vand.u32 $0xFFFF0000, v3;
	v41 =	vand.u32 $0xFFFF0000, v20  }
0x4d: {  	v27 =	vld.idx.msk [tilespmem:v27+s13+$0x0], $0xffff;
	v20 =	vshll.u32 v20, $0x10;
	v3 =	vshll.u32 v3, $0x10;
	v42 =	vand.u32 $0xFFFF0000, v4  }
0x4e: {  	v10 =	vld.idx.msk [tilespmem:v10+s13+$0x0], $0xffff;
	v4 =	vshll.u32 v4, $0x10;
	v43 =	vand.u32 $0xFFFF0000, v21;
	v21 =	vshll.u32 v21, $0x10  }
0x4f: {  	v28 =	vld.idx.msk [tilespmem:v28+s13+$0x0], $0xffff;
	v44 =	vand.u32 $0xFFFF0000, v5;
	v5 =	vshll.u32 v5, $0x10;
	v45 =	vand.u32 $0xFFFF0000, v23  }
0x50: {  	v12 =	vld.idx.msk [tilespmem:v12+s13+$0x0], $0xffff;
	v23 =	vshll.u32 v23, $0x10;
	v46 =	vand.u32 $0xFFFF0000, v6;
	v6 =	vshll.u32 v6, $0x10  }
0x51: {  	v29 =	vld.idx.msk [tilespmem:v29+s13+$0x0], $0xffff;
	v47 =	vand.u32 $0xFFFF0000, v25;
	v25 =	vshll.u32 v25, $0x10;
	v48 =	vand.u32 $0xFFFF0000, v24  }
0x52: {  	v13 =	vld.idx.msk [tilespmem:v13+s13+$0x0], $0xffff;
	v49 =	vand.u32 $0xFFFF0000, v7;
	v7 =	vshll.u32 v7, $0x10;
	v24 =	vshll.u32 v24, $0x10  }
0x53: {  	v30 =	vld.idx.msk [tilespmem:v30+s13+$0x0], $0xffff;
	v50 =	vand.u32 $0xFFFF0000, v8;
	v8 =	vshll.u32 v8, $0x10;
	v51 =	vand.u32 $0xFFFF0000, v26  }
0x54: {  	v15 =	vld.idx.msk [tilespmem:v15+s13+$0x0], $0xffff;
	v26 =	vshll.u32 v26, $0x10;
	v52 =	vand.u32 $0xFFFF0000, v9;
	v9 =	vshll.u32 v9, $0x10  }
0x55: {  	v53 =	vand.u32 $0xFFFF0000, v27;
	v27 =	vshll.u32 v27, $0x10;
	v54 =	vand.u32 $0xFFFF0000, v10  }
0x56: {  	v10 =	vshll.u32 v10, $0x10;
	v55 =	vand.u32 $0xFFFF0000, v28;
	v28 =	vshll.u32 v28, $0x10  }
0x57: {  	v31 =	vld.idx.msk [tilespmem:v31+s13+$0x0], $0xffff;
	v56 =	vand.u32 $0xFFFF0000, v12;
	v12 =	vshll.u32 v12, $0x10;
	v57 =	vand.u32 $0xFFFF0000, v29  }
0x58: {  	v16 =	vld.idx.msk [tilespmem:v16+s13+$0x0], $0xffff;
	v29 =	vshll.u32 v29, $0x10;
	v58 =	vand.u32 $0xFFFF0000, v13;
	v13 =	vshll.u32 v13, $0x10  }
0x59: {  	v59 =	vand.u32 $0xFFFF0000, v30;
	v60 =	vand.u32 $0xFFFF0000, v15;
	v33 =	vsub.f32 v33, v34  }
0x5a: {  	v11 =	vsub.f32 v11, v19;
	v19 =	vshll.u32 v15, $0x10;
	v15 =	vsub.f32 v35, v36  }
0x5b: {  	v32 =	vld.idx.msk [tilespmem:v32+s13+$0x0], $0xffff;
	v30 =	vshll.u32 v30, $0x10;
	v1 =	vsub.f32 v14, v1;
	v62 =	vsub.f32 v37, v38  }
0x5c: {  	v14 =	vand.u32 $0xFFFF0000, v31;
	v2 =	vsub.f32 v18, v2;
	v18 =	vsub.f32 v39, v40  }
0x5d: {  	v17 =	vld.idx.msk [tilespmem:v17+s13+$0x0], $0xffff;
	v3 =	vsub.f32 v22, v3;
	v22 =	vand.u32 $0xFFFF0000, v16;
	v63 =	vsub.f32 v41, v42  }
0x5e: {  	v4 =	vsub.f32 v20, v4;
	v20 =	vshll.u32 v16, $0x10;
	v16 =	vsub.f32 v43, v44  }
0x5f: {  	v31 =	vshll.u32 v31, $0x10;
	v5 =	vsub.f32 v21, v5;
	v21 =	vsub.f32 v45, v46  }
0x60: {  	v36 =	vand.u32 $0xFFFF0000, v32;
	v6 =	vsub.f32 v23, v6;
	v23 =	vsub.f32 v47, v49  }
0x61: {  	v32 =	vshll.u32 v32, $0x10;
	v7 =	vsub.f32 v25, v7;
	v50 =	vsub.f32 v48, v50  }
0x62: {  	v25 =	vand.u32 $0xFFFF0000, v17;
	v8 =	vsub.f32 v24, v8;
	v52 =	vsub.f32 v51, v52  }
0x63: {  	v24 =	vshll.u32 v17, $0x10;
	v9 =	vsub.f32 v26, v9;
	v26 =	vsub.f32 v53, v54  }
0x64: {  	v10 =	vsub.f32 v27, v10;
	v27 =	vsub.f32 v55, v56;
	v33 =	vmul.f32 v33, v33  }
0x65: {  	v12 =	vsub.f32 v28, v12;
	v11 =	vmul.f32 v11, v11;
	v54 =	vmul.f32 v15, v15  }
0x66: {  	v28 =	vsub.f32 v57, v58;
	v1 =	vmul.f32 v1, v1;
	v34 =	vmul.f32 v62, v62  }
0x67: {  	v13 =	vsub.f32 v29, v13;
	v2 =	vmul.f32 v2, v2;
	v40 =	vmul.f32 v18, v18  }
0x68: {  	v29 =	vsub.f32 v59, v60;
	v3 =	vmul.f32 v3, v3;
	v35 =	vmul.f32 v63, v63  }
0x69: {  	v43 =	vimm.f32 $0.0e+00;
	v4 =	vmul.f32 v4, v4;
	v57 =	vmul.f32 v16, v16  }
0x6a: {  	v45 =	vimm.f32 $0.0e+00;
	v5 =	vmul.f32 v5, v5;
	v58 =	vmul.f32 v21, v21  }
0x6b: {  	v44 =	vimm.f32 $0.0e+00;
	v6 =	vmul.f32 v6, v6;
	v15 =	vmul.f32 v23, v23  }
0x6c: {  	v25 =	vsub.f32 v36, v25;
	v16 =	vmul.f32 v7, v7;
	v17 =	vmul.f32 v50, v50  }
0x6d: {  	v62 =	vsub.f32 v30, v19;
	v19 =	vmul.f32 v8, v8;
	v18 =	vmul.f32 v52, v52  }
0x6e: {  	v23 =	vsub.f32 v31, v20;
	v20 =	vmul.f32 v9, v9;
	v21 =	vmul.f32 v26, v26  }
0x6f: {  	v63 =	vsub.f32 v14, v22;
	v26 =	vmul.f32 v10, v10;
	v22 =	vmul.f32 v27, v27  }
0x70: {  	v24 =	vsub.f32 v32, v24;
	v27 =	vmul.f32 v12, v12;
	v28 =	vmul.f32 v28, v28  }
0x71: {  	v30 =	vmul.f32 v13, v13;
	v29 =	vmul.f32 v29, v29;
	v7 =	vadd.f32 v11, v33  }
0x72: {  	v8 =	vimm.f32 $0.0e+00;
	v12 =	vadd.f32 v1, v54;
	v10 =	vadd.f32 v2, v34  }
0x73: {  	v32 =	vmul.f32 v62, v62;
	v14 =	vadd.f32 v4, v35;
	v9 =	vadd.f32 v3, v40  }
0x74: {  	v31 =	vmul.f32 v63, v63;
	v13 =	vadd.f32 v5, v57;
	v11 =	vadd.f32 v6, v58  }
0x75: {  	s21 =	simm.s32 $0x180;
	s20 =	simm.s32 $0x0;
	v5 =	vimm.f32 $0.0e+00;
	v6 =	vimm.f32 $0.0e+00;
	v4 =	vimm.f32 $0.0e+00  }
.LBB2_2:
0x76: {  	v19 =	vadd.f32 v19, v17;
	v15 =	vadd.f32 v16, v15  }
0x77: {  	v18 =	vadd.f32 v20, v18;
	v17 =	vadd.f32 v26, v21  }
0x78: {  	v20 =	vadd.f32 v30, v28;
	v16 =	vadd.f32 v27, v22  }
0x79: {  	v21 =	vmul.f32 v24, v24;
	v22 =	vadd.f32 v32, v29;
	v24 =	vsub.f32 $0.0e+00, v7  }
0x7a: {  	v23 =	vmul.f32 v23, v23;
	v26 =	vsub.f32 $0.0e+00, v12;
	v27 =	vsub.f32 $0.0e+00, v10  }
0x7b: {  	v25 =	vmul.f32 v25, v25;
	v30 =	vsub.f32 $0.0e+00, v9;
	v34 =	vsub.f32 $0.0e+00, v14  }
0x7c: {  	v50 =	vsub.f32 $0.0e+00, v13;
	v35 =	vsub.f32 $0.0e+00, v11  }
0x7d: {  	v23 =	vadd.f32 v23, v31;
	v21 =	vadd.f32 v21, v25  }
0x7e: {  	v33 =	vld [tilespmem:s21+$0x40];
	v29 =	vsub.f32 $0.0e+00, v20;
	v31 =	vsub.f32 $0.0e+00, v22;
	v24 =	vmul.f32 $1.442695020e+00, v24  }
0x7f: {  	v26 =	vmul.f32 $1.442695020e+00, v26;
	v48 =	vsub.f32 $0.0e+00, v19;
	v27 =	vmul.f32 $1.442695020e+00, v27  }
0x80: {  	v49 =	vsub.f32 $0.0e+00, v18;
	v30 =	vmul.f32 $1.442695020e+00, v30;
	v36 =	vsub.f32 $0.0e+00, v15  }
0x81: {  	v55 =	vld [tilespmem:s21+$0xFFFFFFD0];
	v34 =	vmul.f32 $1.442695020e+00, v34;
	v39 =	vsub.f32 $0.0e+00, v17;
	v40 =	vsub.f32 $0.0e+00, v16  }
0x82: {  	v56 =	vld [tilespmem:s21+$0xFFFFFFE0];
	v35 =	vmul.f32 $1.442695020e+00, v35;
	v0 =	vadd.f32 v20, v61;
	v6 =	vadd.f32 v22, v6  }
0x83: {  	v25 =	vshrl.u32 v33, $0xD;
	v29 =	vmul.f32 $1.442695020e+00, v29;
	v31 =	vmul.f32 $1.442695020e+00, v31  }
0x84: {  	v28 =	vand.u32 $0x1FFF, v33;
	v32 =	vmul.f32 $1.442695020e+00, v48;
	v33 =	vmul.f32 $1.442695020e+00, v50  }
0x85: {  	v37 =	vsub.f32 $0.0e+00, v23;
	v38 =	vsub.f32 $0.0e+00, v21;
	v36 =	vmul.f32 $1.442695020e+00, v36  }
0x86: {  	v52 =	vld [tilespmem:s21+$0x0];
	v39 =	vmul.f32 $1.442695020e+00, v39;
	v40 =	vmul.f32 $1.442695020e+00, v40;
	v1 =	vadd.f32 v23, v43  }
0x87: {  	v22 =	vld [tilespmem:s21+$0xFFFFFFF0];
	v60 =	vand.u32 $0x1FFF, v55;
	v61 =	vshrl.u32 v56, $0xD;
	v62 =	vand.u32 $0x1FFF, v56  }
0x88: {  	v53 =	vld [tilespmem:s21+$0x10];
	v0 =	vadd.f32 v19, v0;
	(erf) = vpow2.f32 v29;
	v29 =	vmul.f32 $1.442695020e+00, v49  }
0x89: {  	v6 =	vadd.f32 v18, v6;
	v37 =	vmul.f32 $1.442695020e+00, v37;
	(erf) = vpow2.f32 v31;
	v31 =	vld [tilespmem:s21+$0x50]  }
0x8a: {  	v38 =	vmul.f32 $1.442695020e+00, v38;
	v1 =	vadd.f32 v17, v1;
	(erf) = vpow2.f32 v32  }
0x8b: {  	v0 =	vadd.f32 v14, v0;
	v6 =	vadd.f32 v13, v6;
	(erf) = vpow2.f32 v29;
	v29 =	vld [tilespmem:s21+$0x70]  }
0x8c: {  	v63 =	vshrl.u32 v22, $0xD;
	v22 =	vand.u32 $0x1FFF, v22;
	(erf) = vpow2.f32 v34;
	v34 =	vld.idx.msk [tilespmem:v62+s13+$0x0], $0xffff  }
0x8d: {  	v51 =	vld [tilespmem:s21+$0x60];
	v1 =	vadd.f32 v11, v1;
	v11 =	vand.u32 $0x1FFF, v53;
	(erf) = vpow2.f32 v33  }
0x8e: {  	v17 =	vand.u32 $0x1FFF, v52;
	v33 =	vld.idx.msk [tilespmem:v61+s13+$0x0], $0xffff;
	(erf) = vpow2.f32 v24;
	v41 =	vshrl.u32 v31, $0xD  }
0x8f: {  	v0 =	vadd.f32 v7, v0;
	v58 =	vadd.f32 v12, v6;
	v12 =	vld.idx.msk [tilespmem:v28+s13+$0x0], $0xffff;
	(erf) = vpow2.f32 v26  }
0x90: {  	v32 =	vld.idx.msk [tilespmem:v60+s13+$0x0], $0xffff;
	v31 =	vand.u32 $0x1FFF, v31;
	(erf) = vpow2.f32 v37;
	v28 =	vshrl.u32 v29, $0xD  }
0x91: {  	v22 =	vld.idx.msk [tilespmem:v22+s13+$0x0], $0xffff;
	v29 =	vand.u32 $0x1FFF, v29;
	v42 =	vpop (erf);
	(erf) = vpow2.f32 v38;
	v61 =	vand.u32 $0xFFFF0000, v34  }
0x92: {  	v11 =	vld.idx.msk [tilespmem:v11+s13+$0x0], $0xffff;
	v34 =	vshll.u32 v34, $0x10;
	v5 =	vadd.f32 v42, v5;
	v20 =	vpop (erf);
	(erf) = vpow2.f32 v39  }
0x93: {  	v60 =	vand.u32 $0xFFFF0000, v33;
	v33 =	vshll.u32 v33, $0x10;
	v4 =	vadd.f32 v20, v4;
	v20 =	vpop (erf);
	v23 =	vld.idx.msk [tilespmem:v41+s13+$0x0], $0xffff  }
0x94: {  	(erf) = vpow2.f32 v40;
	v41 =	vand.u32 $0xFFFF0000, v12;
	v5 =	vadd.f32 v20, v5;
	v20 =	vld [tilespmem:s21+$0xFFFFFF80]  }
0x95: {  	v12 =	vshll.u32 v12, $0x10;
	v33 =	vsub.f32 v33, v34;
	v19 =	vpop (erf);
	(erf) = vpow2.f32 v35;
	v35 =	vld.idx.msk [tilespmem:v63+s13+$0x0], $0xffff  }
0x96: {  	v63 =	vand.u32 $0xFFFF0000, v22;
	v4 =	vadd.f32 v19, v4;
	v18 =	vpop (erf);
	(erf) = vpow2.f32 v36;
	v19 =	vld [tilespmem:s21+$0xFFFFFF90]  }
0x97: {  	v22 =	vshll.u32 v22, $0x10;
	v28 =	vld.idx.msk [tilespmem:v28+s13+$0x0], $0xffff;
	v5 =	vadd.f32 v18, v5;
	v14 =	vpop (erf);
	(erf) = vpow2.f32 v27  }
0x98: {  	v27 =	vshrl.u32 v51, $0xD;
	v4 =	vadd.f32 v14, v4;
	v13 =	vpop (erf);
	(erf) = vpow2.f32 v30;
	v30 =	vld.idx.msk [tilespmem:v31+s13+$0x0], $0xffff  }
0x99: {  	v31 =	vshrl.u32 v55, $0xD;
	v57 =	vadd.f32 v13, v5;
	v13 =	vld.idx.msk [tilespmem:v25+s13+$0x0], $0xffff;
	v25 =	vand.u32 $0x1FFF, v51  }
0x9a: {  	v29 =	vld.idx.msk [tilespmem:v29+s13+$0x0], $0xffff;
	v7 =	vpop (erf);
	v42 =	vand.u32 $0xFFFF0000, v23;
	v23 =	vshll.u32 v23, $0x10;
	v51 =	vand.u32 $0xFFFF0000, v11  }
0x9b: {  	v11 =	vshll.u32 v11, $0x10;
	v59 =	vadd.f32 v7, v4;
	v4 =	vadd.f32 v10, v1  }
0x9c: {  	[tilespmem:$0x1FFC0] =	vst v0;
	v7 =	vpop (erf);
	v0 =	vshrl.u32 v20, $0xD;
	v20 =	vand.u32 $0x1FFF, v20;
	v62 =	vand.u32 $0xFFFF0000, v35  }
0x9d: {  	v35 =	vshll.u32 v35, $0x10;
	v3 =	vadd.f32 v7, v8;
	v8 =	vadd.f32 v21, v45  }
0x9e: {  	v14 =	vld [tilespmem:s21+$0xFFFFFFB0];
	v21 =	vshrl.u32 v52, $0xD;
	v1 =	vshrl.u32 v19, $0xD;
	v19 =	vand.u32 $0x1FFF, v19  }
0x9f: {  	v54 =	vld [tilespmem:s21+$0xFFFFFFC0];
	v7 =	vpop (erf);
	v46 =	vand.u32 $0xFFFF0000, v28;
	v28 =	vshll.u32 v28, $0x10;
	v47 =	vand.u32 $0xFFFF0000, v29  }
0xa0: {  	v24 =	vld [tilespmem:s21+$0x20];
	v29 =	vshll.u32 v29, $0x10;
	v35 =	vsub.f32 v35, v22;
	v2 =	vadd.f32 v7, v44  }
0xa1: {  	v26 =	vld [tilespmem:s21+$0x30];
	[tilespmem:$0x1FFE0] =	vst v59;
	v7 =	vpop (erf);
	v59 =	vand.u32 $0xFFFF0000, v32;
	v32 =	vshll.u32 v32, $0x10;
	v28 =	vsub.f32 v28, v29  }
0xa2: {  	v18 =	vld [tilespmem:s21+$0xFFFFFFA0];
	v3 =	vadd.f32 v7, v3;
	v8 =	vadd.f32 v16, v8;
	v16 =	vshrl.u32 v53, $0xD  }
0xa3: {  	v27 =	vld.idx.msk [tilespmem:v27+s13+$0x0], $0xffff;
	v7 =	vpop (erf);
	v39 =	vshrl.u32 v14, $0xD;
	v14 =	vand.u32 $0x1FFF, v14;
	v43 =	vand.u32 $0xFFFF0000, v30  }
0xa4: {  	v30 =	vshll.u32 v30, $0x10;
	v31 =	vld.idx.msk [tilespmem:v31+s13+$0x0], $0xffff;
	v2 =	vadd.f32 v7, v2;
	v7 =	vpop (erf);
	v40 =	vand.u32 $0xFFFF0000, v13  }
0xa5: {  	v25 =	vld.idx.msk [tilespmem:v25+s13+$0x0], $0xffff;
	v13 =	vshll.u32 v13, $0x10;
	v23 =	vsub.f32 v23, v30;
	v3 =	vadd.f32 v7, v3  }
0xa6: {  	v7 =	vpop (erf);
	v8 =	vadd.f32 v15, v8;
	v15 =	vshrl.u32 v24, $0xD;
	v36 =	vld.idx.msk [tilespmem:v0+s13+$0x0], $0xffff;
	v40 =	vsub.f32 v40, v41  }
0xa7: {  	v12 =	vsub.f32 v13, v12;
	v2 =	vadd.f32 v7, v2;
	v7 =	vpop (erf);
	v10 =	vld.idx.msk [tilespmem:v21+s13+$0x0], $0xffff;
	v21 =	vand.u32 $0x1FFF, v24  }
0xa8: {  	v20 =	vld.idx.msk [tilespmem:v20+s13+$0x0], $0xffff;
	v24 =	vand.u32 $0x1FFF, v26;
	v5 =	vadd.f32 v7, v3;
	v6 =	vadd.f32 v9, v8  }
0xa9: {  	v9 =	vld.idx.msk [tilespmem:v17+s13+$0x0], $0xffff;
	v17 =	vshrl.u32 v26, $0xD;
	v26 =	vand.u32 $0x1FFF, v54;
	v44 =	vand.u32 $0xFFFF0000, v27  }
0xaa: {  	v7 =	vpop (erf);
	v27 =	vshll.u32 v27, $0x10;
	v40 =	vmul.f32 v40, v40;
	v12 =	vmul.f32 v12, v12  }
0xab: {  	v19 =	vld.idx.msk [tilespmem:v19+s13+$0x0], $0xffff;
	v8 =	vadd.f32 v7, v2;
	v7 =	vshrl.u32 v54, $0xD;
	v2 =	vshrl.u32 v18, $0xD  }
0xac: {  	[tilespmem:$0x1FFF0] =	vst v58;
	v18 =	vand.u32 $0x1FFF, v18;
	v58 =	vand.u32 $0xFFFF0000, v31;
	v31 =	vshll.u32 v31, $0x10  }
0xad: {  	v37 =	vld.idx.msk [tilespmem:v1+s13+$0x0], $0xffff;
	v45 =	vand.u32 $0xFFFF0000, v25;
	v25 =	vshll.u32 v25, $0x10;
	v31 =	vsub.f32 v31, v32  }
0xae: {  	v16 =	vld.idx.msk [tilespmem:v16+s13+$0x0], $0xffff;
	v0 =	vand.u32 $0xFFFF0000, v36;
	v36 =	vshll.u32 v36, $0x10;
	v1 =	vand.u32 $0xFFFF0000, v20  }
0xaf: {  	v20 =	vshll.u32 v20, $0x10;
	v41 =	vsub.f32 v44, v45;
	v25 =	vsub.f32 v27, v25  }
0xb0: {  	v39 =	vld.idx.msk [tilespmem:v39+s13+$0x0], $0xffff;
	v48 =	vand.u32 $0xFFFF0000, v10;
	v10 =	vshll.u32 v10, $0x10;
	v3 =	vand.u32 $0xFFFF0000, v19  }
0xb1: {  	v15 =	vld.idx.msk [tilespmem:v15+s13+$0x0], $0xffff;
	v13 =	vshll.u32 v19, $0x10;
	v19 =	vsub.f32 v42, v43;
	v0 =	vsub.f32 v0, v1  }
0xb2: {  	v21 =	vld.idx.msk [tilespmem:v21+s13+$0x0], $0xffff;
	v36 =	vsub.f32 v36, v20;
	v20 =	vmul.f32 v31, v31;
	v49 =	vand.u32 $0xFFFF0000, v9  }
0xb3: {  	v24 =	vld.idx.msk [tilespmem:v24+s13+$0x0], $0xffff;
	v9 =	vshll.u32 v9, $0x10;
	v41 =	vmul.f32 v41, v41;
	v50 =	vand.u32 $0xFFFF0000, v16  }
0xb4: {  	v16 =	vshll.u32 v16, $0x10;
	v38 =	vld.idx.msk [tilespmem:v2+s13+$0x0], $0xffff;
	v2 =	vand.u32 $0xFFFF0000, v37;
	v37 =	vshll.u32 v37, $0x10  }
0xb5: {  	v17 =	vld.idx.msk [tilespmem:v17+s13+$0x0], $0xffff;
	v42 =	vsub.f32 v48, v49;
	v9 =	vsub.f32 v10, v9;
	v43 =	vand.u32 $0xFFFF0000, v39  }
0xb6: {  	v26 =	vld.idx.msk [tilespmem:v26+s13+$0x0], $0xffff;
	v39 =	vshll.u32 v39, $0x10;
	v11 =	vsub.f32 v16, v11;
	v2 =	vsub.f32 v2, v3  }
0xb7: {  	v7 =	vld.idx.msk [tilespmem:v7+s13+$0x0], $0xffff;
	v13 =	vsub.f32 v37, v13;
	v52 =	vand.u32 $0xFFFF0000, v15;
	v15 =	vshll.u32 v15, $0x10  }
0xb8: {  	v9 =	vmul.f32 v9, v9;
	v53 =	vand.u32 $0xFFFF0000, v21;
	v21 =	vshll.u32 v21, $0x10  }
0xb9: {  	v18 =	vld.idx.msk [tilespmem:v18+s13+$0x0], $0xffff;
	v56 =	vand.u32 $0xFFFF0000, v24;
	v24 =	vshll.u32 v24, $0x10;
	v11 =	vmul.f32 v11, v11  }
0xba: {  	v32 =	vmul.f32 v13, v13;
	v54 =	vand.u32 $0xFFFF0000, v17;
	v17 =	vshll.u32 v17, $0x10  }
0xbb: {  	[tilespmem:$0x1FFD0] =	vst v57;
	v14 =	vld.idx.msk [tilespmem:v14+s13+$0x0], $0xffff;
	v57 =	vand.u32 $0xFFFF0000, v26;
	v26 =	vshll.u32 v26, $0x10;
	v16 =	vsub.f32 v52, v53  }
0xbc: {  	v15 =	vsub.f32 v15, v21;
	v53 =	vsub.f32 v60, v61;
	v55 =	vand.u32 $0xFFFF0000, v7  }
0xbd: {  	v30 =	vand.u32 $0xFFFF0000, v38;
	v27 =	vshll.u32 v38, $0x10;
	v38 =	vsub.f32 v46, v47  }
0xbe: {  	v29 =	vand.u32 $0xFFFF0000, v18;
	v10 =	vshll.u32 v18, $0x10;
	v18 =	vsub.f32 v50, v51  }
0xbf: {  	v7 =	vshll.u32 v7, $0x10;
	v21 =	vsub.f32 v54, v56;
	v17 =	vsub.f32 v17, v24  }
0xc0: {  	v24 =	vand.u32 $0xFFFF0000, v14;
	v54 =	vmul.f32 v19, v19;
	v52 =	vsub.f32 v55, v57  }
0xc1: {  	v7 =	vsub.f32 v7, v26;
	v55 =	vmul.f32 v23, v23;
	v57 =	vmul.f32 v25, v25  }
0xc2: {  	v26 =	vsub.f32 v58, v59;
	v58 =	vmul.f32 v28, v28;
	v59 =	vmul.f32 v42, v42  }
0xc3: {  	v56 =	vsub.f32 v62, v63;
	v3 =	vmul.f32 v16, v16;
	v62 =	vmul.f32 v15, v15  }
0xc4: {  	v23 =	vsub.f32 v27, v10;
	v27 =	vmul.f32 v35, v35;
	v28 =	vmul.f32 v0, v0  }
0xc5: {  	v63 =	vsub.f32 v30, v29;
	v30 =	vmul.f32 v36, v36;
	v29 =	vmul.f32 v2, v2  }
0xc6: {  	s20 =	sadd.s32 $0x10, s20;
	v14 =	vshll.u32 v14, $0x10;
	v38 =	vmul.f32 v38, v38;
	v60 =	vmul.f32 v18, v18  }
0xc7: {  	p1 =	slt.u32 s20, $0xF0;
	v25 =	vsub.f32 v43, v24;
	v15 =	vmul.f32 v21, v21;
	v16 =	vmul.f32 v17, v17  }
.Ltmp2:
0xc8: {  	v44 =	vmovc v8;
	v24 =	vsub.f32 v39, v14;
	v21 =	vmul.f32 v53, v53;
	v22 =	vmul.f32 v56, v56;
	(pc) =	sbr.rel @p1 .LBB2_2-.Ltmp2, $4  }
0xc9: {  	v8 =	vmovc v5;
	v5 =	vld [tilespmem:$0x1FFD0];
	v17 =	vmul.f32 v52, v52;
	v19 =	vmul.f32 v7, v7;
	v7 =	vadd.f32 v12, v40  }
0xca: {  	v45 =	vmovc v6;
	v6 =	vld [tilespmem:$0x1FFF0];
	v18 =	vmul.f32 v26, v26;
	v12 =	vadd.f32 v55, v54;
	v10 =	vadd.f32 v57, v41  }
0xcb: {  	v61 =	vld [tilespmem:$0x1FFC0];
	v26 =	vmul.f32 v33, v33;
	v14 =	vadd.f32 v9, v59;
	v9 =	vadd.f32 v58, v38  }
0xcc: {  	s21 =	sadd.s32 $0x100, s21;
	v43 =	vmovc v4;
	v4 =	vld [tilespmem:$0x1FFE0];
	v31 =	vmul.f32 v63, v63;
	v13 =	vadd.f32 v11, v60;
	v11 =	vadd.f32 v62, v3  }
0xcd: {  	v0 =	vadd.f32 v19, v17  }
0xce: {  	v1 =	vadd.f32 v16, v15;
	v2 =	vadd.f32 v30, v28  }
0xcf: {  	v15 =	vadd.f32 v20, v18;
	v16 =	vadd.f32 v32, v29;
	v17 =	vmul.f32 v25, v25  }
0xd0: {  	v18 =	vadd.f32 v26, v21;
	v20 =	vmul.f32 v24, v24;
	v21 =	vadd.f32 v27, v22  }
0xd1: {  	v19 =	vsub.f32 $0.0e+00, v2;
	v22 =	vsub.f32 $0.0e+00, v16  }
0xd2: {  	v3 =	vmul.f32 v23, v23;
	v23 =	vsub.f32 $0.0e+00, v0;
	v17 =	vadd.f32 v20, v17  }
0xd3: {  	v19 =	vmul.f32 $1.442695020e+00, v19;
	v20 =	vmul.f32 $1.442695020e+00, v22;
	v22 =	vsub.f32 $0.0e+00, v15  }
0xd4: {  	v24 =	vsub.f32 $0.0e+00, v14;
	v3 =	vadd.f32 v3, v31;
	v23 =	vmul.f32 $1.442695020e+00, v23  }
0xd5: {  	(erf) = vpow2.f32 v19;
	v19 =	vmul.f32 $1.442695020e+00, v22;
	v22 =	vsub.f32 $0.0e+00, v13  }
0xd6: {  	v24 =	vmul.f32 $1.442695020e+00, v24;
	(erf) = vpow2.f32 v20;
	v20 =	vsub.f32 $0.0e+00, v7  }
0xd7: {  	(erf) = vpow2.f32 v23;
	v23 =	vsub.f32 $0.0e+00, v12;
	v22 =	vmul.f32 $1.442695020e+00, v22  }
0xd8: {  	(erf) = vpow2.f32 v19;
	v19 =	vmul.f32 $1.442695020e+00, v20;
	v20 =	vsub.f32 $0.0e+00, v3  }
0xd9: {  	(erf) = vpow2.f32 v24;
	v23 =	vmul.f32 $1.442695020e+00, v23;
	v24 =	vsub.f32 $0.0e+00, v17  }
0xda: {  	(erf) = vpow2.f32 v22;
	v20 =	vmul.f32 $1.442695020e+00, v20;
	v22 =	vsub.f32 $0.0e+00, v18  }
0xdb: {  	(erf) = vpow2.f32 v19;
	v19 =	vmul.f32 $1.442695020e+00, v24;
	v24 =	vsub.f32 $0.0e+00, v21  }
0xdc: {  	(erf) = vpow2.f32 v23;
	v23 =	vsub.f32 $0.0e+00, v11;
	v22 =	vmul.f32 $1.442695020e+00, v22  }
0xdd: {  	(erf) = vpow2.f32 v20;
	v20 =	vsub.f32 $0.0e+00, v1;
	v24 =	vmul.f32 $1.442695020e+00, v24  }
0xde: {  	v25 =	vpop (erf);
	(erf) = vpow2.f32 v19;
	v19 =	vsub.f32 $0.0e+00, v10;
	v23 =	vmul.f32 $1.442695020e+00, v23  }
0xdf: {  	v26 =	vpop (erf);
	(erf) = vpow2.f32 v22;
	v22 =	vsub.f32 $0.0e+00, v9;
	v20 =	vmul.f32 $1.442695020e+00, v20  }
0xe0: {  	v27 =	vpop (erf);
	(erf) = vpow2.f32 v24;
	v19 =	vmul.f32 $1.442695020e+00, v19  }
0xe1: {  	v24 =	vpop (erf);
	(erf) = vpow2.f32 v23;
	v22 =	vmul.f32 $1.442695020e+00, v22  }
0xe2: {  	v23 =	vpop (erf);
	(erf) = vpow2.f32 v20  }
0xe3: {  	v20 =	vpop (erf);
	(erf) = vpow2.f32 v19  }
0xe4: {  	v19 =	vpop (erf);
	(erf) = vpow2.f32 v22  }
0xe5: {  	v22 =	vpop (erf)  }
0xe6: {  	v28 =	vpop (erf)  }
0xe7: {  	v29 =	vpop (erf)  }
0xe8: {  	v30 =	vpop (erf)  }
0xe9: {  	v31 =	vpop (erf)  }
0xea: {  	v58 =	vpop (erf)  }
0xeb: {  	v33 =	vpop (erf)  }
0xec: {  	v34 =	vpop (erf)  }
0xed: {  	v6 =	vadd.f32 v16, v6;
	v5 =	vadd.f32 v25, v5;
	v16 =	vpop (erf)  }
0xee: {  	v2 =	vadd.f32 v2, v61;
	v4 =	vadd.f32 v26, v4;
	_ =	swait.ge [sflag:s14], $0x1000  }
0xef: {  	v59 =	vadd.f32 v27, v5;
	v5 =	vadd.f32 v15, v6;
	[sflag:s14] =	ssyncset.done $0x0  }
0xf0: {  	s20 =	simm.s32 $0x10F0;
	v0 =	vadd.f32 v0, v2;
	v4 =	vadd.f32 v24, v4;
	[sflag:s14] =	ssyncadd.s32 $0xFFFFF000  }
0xf1: {  	v60 =	vadd.f32 v3, v43;
	v6 =	vadd.f32 v13, v5;
	v13 =	vld [tilespmem:s20+$0xFFFFFFD0]  }
0xf2: {  	v0 =	vadd.f32 v14, v0;
	v14 =	vadd.f32 v20, v4;
	v15 =	vld [tilespmem:s20+$0xFFFFFFE0]  }
0xf3: {  	v3 =	vadd.f32 v17, v45;
	v4 =	vadd.f32 v12, v6;
	v12 =	vld [tilespmem:s20+$0xFFFFFFF0]  }
0xf4: {  	v2 =	vadd.f32 v23, v59;
	v6 =	vadd.f32 v22, v14;
	v14 =	vld [tilespmem:s20+$0x0]  }
0xf5: {  	v5 =	vadd.f32 v7, v0;
	v61 =	vadd.f32 v28, v8;
	v8 =	vld [tilespmem:s20+$0xFFFFFF90]  }
0xf6: {  	v0 =	vadd.f32 v18, v60;
	v17 =	vadd.f32 v29, v44;
	v18 =	vld [tilespmem:s20+$0xFFFFFFA0]  }
0xf7: {  	v3 =	vadd.f32 v21, v3;
	v7 =	vadd.f32 v19, v2;
	v19 =	vld [tilespmem:s20+$0xFFFFFFB0]  }
0xf8: {  	v0 =	vadd.f32 v11, v0;
	v17 =	vadd.f32 v31, v17;
	v11 =	vld [tilespmem:s20+$0xFFFFFFC0]  }
0xf9: {  	v1 =	vadd.f32 v1, v3;
	v20 =	vld [tilespmem:s20+$0xFFFFFF50]  }
0xfa: {  	v51 =	vadd.f32 v10, v0;
	v3 =	vadd.f32 v33, v17;
	v10 =	vld [tilespmem:s20+$0xFFFFFF60]  }
0xfb: {  	v52 =	vadd.f32 v9, v1;
	v9 =	vld [tilespmem:s20+$0xFFFFFF70]  }
0xfc: {  	v2 =	vadd.f32 v30, v61;
	v54 =	vadd.f32 v16, v3;
	v17 =	vld [tilespmem:s20+$0xFFFFFF80];
	v16 =	vshrl.u32 v13, $0xD  }
0xfd: {  	v22 =	vld [tilespmem:s20+$0xFFFFFF10];
	v13 =	vand.u32 $0x1FFF, v13  }
0xfe: {  	v2 =	vadd.f32 v58, v2;
	v24 =	vld [tilespmem:s20+$0xFFFFFF20];
	v21 =	vshrl.u32 v15, $0xD  }
0xff: {  	v26 =	vld [tilespmem:s20+$0xFFFFFF30];
	v23 =	vshrl.u32 v12, $0xD  }
0x100: {  	v53 =	vadd.f32 v34, v2;
	v29 =	vld [tilespmem:s20+$0xFFFFFF40];
	v25 =	vshrl.u32 v14, $0xD  }
0x101: {  	v15 =	vand.u32 $0x1FFF, v15;
	v12 =	vand.u32 $0x1FFF, v12;
	v27 =	vshrl.u32 v8, $0xD;
	v16 =	vld.idx.msk [tilespmem:v16+s13+$0x0], $0xffff  }
0x102: {  	v14 =	vand.u32 $0x1FFF, v14;
	v8 =	vand.u32 $0x1FFF, v8;
	v28 =	vshrl.u32 v18, $0xD;
	v13 =	vld.idx.msk [tilespmem:v13+s13+$0x0], $0xffff  }
0x103: {  	v18 =	vand.u32 $0x1FFF, v18;
	v30 =	vshrl.u32 v19, $0xD;
	v19 =	vand.u32 $0x1FFF, v19;
	v21 =	vld.idx.msk [tilespmem:v21+s13+$0x0], $0xffff  }
0x104: {  	v31 =	vshrl.u32 v20, $0xD;
	v62 =	vshrl.u32 v11, $0xD;
	v11 =	vand.u32 $0x1FFF, v11;
	v23 =	vld.idx.msk [tilespmem:v23+s13+$0x0], $0xffff  }
0x105: {  	v20 =	vand.u32 $0x1FFF, v20;
	v63 =	vshrl.u32 v10, $0xD;
	v10 =	vand.u32 $0x1FFF, v10;
	v25 =	vld.idx.msk [tilespmem:v25+s13+$0x0], $0xffff  }
0x106: {  	v0 =	vshrl.u32 v9, $0xD;
	v9 =	vand.u32 $0x1FFF, v9;
	v35 =	vshrl.u32 v17, $0xD;
	v27 =	vld.idx.msk [tilespmem:v27+s13+$0x0], $0xffff  }
0x107: {  	v36 =	vshrl.u32 v22, $0xD;
	v22 =	vand.u32 $0x1FFF, v22;
	v17 =	vand.u32 $0x1FFF, v17;
	v28 =	vld.idx.msk [tilespmem:v28+s13+$0x0], $0xffff  }
0x108: {  	v37 =	vshrl.u32 v24, $0xD;
	v24 =	vand.u32 $0x1FFF, v24;
	v38 =	vshrl.u32 v26, $0xD;
	v30 =	vld.idx.msk [tilespmem:v30+s13+$0x0], $0xffff  }
0x109: {  	v26 =	vand.u32 $0x1FFF, v26;
	v39 =	vshrl.u32 v29, $0xD;
	v29 =	vand.u32 $0x1FFF, v29;
	v32 =	vld.idx.msk [tilespmem:v62+s13+$0x0], $0xffff  }
0x10a: {  	v20 =	vld.idx.msk [tilespmem:v20+s13+$0x0], $0xffff;
	v40 =	vand.u32 $0xFFFF0000, v16;
	v16 =	vshll.u32 v16, $0x10;
	v41 =	vand.u32 $0xFFFF0000, v13  }
0x10b: {  	v9 =	vld.idx.msk [tilespmem:v9+s13+$0x0], $0xffff;
	v13 =	vshll.u32 v13, $0x10;
	v1 =	vand.u32 $0xFFFF0000, v21;
	v21 =	vshll.u32 v21, $0x10  }
0x10c: {  	v15 =	vld.idx.msk [tilespmem:v15+s13+$0x0], $0xffff;
	v2 =	vand.u32 $0xFFFF0000, v23;
	v23 =	vshll.u32 v23, $0x10;
	v44 =	vand.u32 $0xFFFF0000, v25  }
0x10d: {  	v25 =	vshll.u32 v25, $0x10;
	v45 =	vand.u32 $0xFFFF0000, v27;
	v27 =	vshll.u32 v27, $0x10  }
0x10e: {  	v12 =	vld.idx.msk [tilespmem:v12+s13+$0x0], $0xffff;
	v46 =	vand.u32 $0xFFFF0000, v28;
	v28 =	vshll.u32 v28, $0x10;
	v47 =	vand.u32 $0xFFFF0000, v30  }
0x10f: {  	v14 =	vld.idx.msk [tilespmem:v14+s13+$0x0], $0xffff;
	v30 =	vshll.u32 v30, $0x10;
	v48 =	vand.u32 $0xFFFF0000, v32;
	v32 =	vshll.u32 v32, $0x10  }
0x110: {  	v49 =	vand.u32 $0xFFFF0000, v20;
	v20 =	vshll.u32 v20, $0x10;
	v50 =	vand.u32 $0xFFFF0000, v9  }
0x111: {  	v8 =	vld.idx.msk [tilespmem:v8+s13+$0x0], $0xffff;
	v9 =	vshll.u32 v9, $0x10;
	v13 =	vsub.f32 v16, v13;
	v16 =	vand.u32 $0xFFFF0000, v15  }
0x112: {  	v40 =	vsub.f32 v40, v41;
	v15 =	vshll.u32 v15, $0x10;
	v16 =	vsub.f32 v1, v16  }
0x113: {  	v18 =	vld.idx.msk [tilespmem:v18+s13+$0x0], $0xffff;
	v15 =	vsub.f32 v21, v15;
	v21 =	vand.u32 $0xFFFF0000, v12;
	v12 =	vshll.u32 v12, $0x10  }
0x114: {  	v19 =	vld.idx.msk [tilespmem:v19+s13+$0x0], $0xffff;
	v21 =	vsub.f32 v2, v21;
	v12 =	vsub.f32 v23, v12;
	v23 =	vand.u32 $0xFFFF0000, v14  }
0x115: {  	v14 =	vshll.u32 v14, $0x10;
	v13 =	vmul.f32 v13, v13;
	v23 =	vsub.f32 v44, v23  }
0x116: {  	v11 =	vld.idx.msk [tilespmem:v11+s13+$0x0], $0xffff;
	v14 =	vsub.f32 v25, v14;
	v25 =	vand.u32 $0xFFFF0000, v8;
	v8 =	vshll.u32 v8, $0x10  }
0x117: {  	v31 =	vld.idx.msk [tilespmem:v31+s13+$0x0], $0xffff;
	v62 =	vmul.f32 v15, v15;
	v25 =	vsub.f32 v45, v25;
	v8 =	vsub.f32 v27, v8  }
0x118: {  	v33 =	vld.idx.msk [tilespmem:v63+s13+$0x0], $0xffff;
	v27 =	vand.u32 $0xFFFF0000, v18;
	v18 =	vshll.u32 v18, $0x10;
	v63 =	vmul.f32 v21, v21  }
0x119: {  	v27 =	vsub.f32 v46, v27;
	v18 =	vsub.f32 v28, v18;
	v28 =	vand.u32 $0xFFFF0000, v19  }
0x11a: {  	v19 =	vshll.u32 v19, $0x10;
	v46 =	vmul.f32 v23, v23;
	v14 =	vmul.f32 v14, v14  }
0x11b: {  	v10 =	vld.idx.msk [tilespmem:v10+s13+$0x0], $0xffff;
	v28 =	vsub.f32 v47, v28;
	v30 =	vsub.f32 v30, v19;
	v19 =	vand.u32 $0xFFFF0000, v11  }
0x11c: {  	v34 =	vld.idx.msk [tilespmem:v0+s13+$0x0], $0xffff;
	v11 =	vshll.u32 v11, $0x10;
	v25 =	vmul.f32 v25, v25;
	v8 =	vmul.f32 v8, v8  }
0x11d: {  	v41 =	vsub.f32 v48, v19;
	v19 =	vand.u32 $0xFFFF0000, v31;
	v31 =	vshll.u32 v31, $0x10  }
0x11e: {  	v35 =	vld.idx.msk [tilespmem:v35+s13+$0x0], $0xffff;
	v11 =	vsub.f32 v32, v11;
	v47 =	vmul.f32 v27, v27;
	v48 =	vmul.f32 v18, v18  }
0x11f: {  	v17 =	vld.idx.msk [tilespmem:v17+s13+$0x0], $0xffff;
	v32 =	vsub.f32 v19, v49;
	v19 =	vand.u32 $0xFFFF0000, v33;
	v33 =	vshll.u32 v33, $0x10  }
0x120: {  	v36 =	vld.idx.msk [tilespmem:v36+s13+$0x0], $0xffff;
	v31 =	vsub.f32 v31, v20;
	v20 =	vand.u32 $0xFFFF0000, v10;
	v10 =	vshll.u32 v10, $0x10  }
0x121: {  	v22 =	vld.idx.msk [tilespmem:v22+s13+$0x0], $0xffff;
	v49 =	vmul.f32 v28, v28;
	v42 =	vsub.f32 v19, v20;
	v19 =	vand.u32 $0xFFFF0000, v34  }
0x122: {  	v34 =	vshll.u32 v34, $0x10;
	v10 =	vsub.f32 v33, v10;
	v18 =	vmul.f32 v11, v11  }
0x123: {  	v24 =	vld.idx.msk [tilespmem:v24+s13+$0x0], $0xffff;
	v33 =	vsub.f32 v19, v50;
	v19 =	vand.u32 $0xFFFF0000, v35;
	v35 =	vshll.u32 v35, $0x10  }
0x124: {  	v55 =	vld.idx.msk [tilespmem:v38+s13+$0x0], $0xffff;
	v34 =	vsub.f32 v34, v9;
	v9 =	vand.u32 $0xFFFF0000, v17;
	v17 =	vshll.u32 v17, $0x10  }
0x125: {  	v20 =	vld.idx.msk [tilespmem:v37+s13+$0x0], $0xffff;
	v50 =	vmul.f32 v30, v30;
	v56 =	vsub.f32 v19, v9;
	v9 =	vand.u32 $0xFFFF0000, v36  }
0x126: {  	v19 =	vld.idx.msk [tilespmem:v26+s13+$0x0], $0xffff;
	v26 =	vshll.u32 v36, $0x10;
	v35 =	vsub.f32 v35, v17;
	v17 =	vand.u32 $0xFFFF0000, v22  }
0x127: {  	v22 =	vshll.u32 v22, $0x10;
	v21 =	vmul.f32 v42, v42;
	v23 =	vmul.f32 v10, v10  }
0x128: {  	v57 =	vsub.f32 v9, v17;
	v58 =	vsub.f32 v26, v22;
	v22 =	vand.u32 $0xFFFF0000, v24  }
0x129: {  	v17 =	vld.idx.msk [tilespmem:v39+s13+$0x0], $0xffff;
	v24 =	vshll.u32 v24, $0x10;
	v26 =	vshll.u32 v55, $0x10;
	v10 =	vadd.f32 v50, v49  }
0x12a: {  	v27 =	vmul.f32 v35, v35;
	v9 =	vand.u32 $0xFFFF0000, v20;
	v20 =	vshll.u32 v20, $0x10  }
0x12b: {  	v28 =	vmul.f32 v57, v57;
	v30 =	vmul.f32 v58, v58;
	v59 =	vsub.f32 v9, v22;
	v22 =	vld.idx.msk [tilespmem:v29+s13+$0x0], $0xffff  }
0x12c: {  	v9 =	vand.u32 $0xFFFF0000, v55;
	v60 =	vsub.f32 v20, v24;
	v24 =	vmul.f32 v40, v40  }
0x12d: {  	v29 =	vmul.f32 v16, v16;
	v20 =	vand.u32 $0xFFFF0000, v19;
	v19 =	vshll.u32 v19, $0x10  }
0x12e: {  	v61 =	vsub.f32 v9, v20;
	v9 =	vand.u32 $0xFFFF0000, v17;
	v15 =	vsub.f32 v26, v19  }
0x12f: {  	v26 =	vmul.f32 v12, v12;
	v20 =	vmul.f32 v32, v32;
	v11 =	vadd.f32 v62, v29  }
0x130: {  	v29 =	vmul.f32 v59, v59;
	v32 =	vmul.f32 v61, v61;
	v16 =	vand.u32 $0xFFFF0000, v22  }
0x131: {  	v12 =	vshll.u32 v22, $0x10;
	v16 =	vsub.f32 v9, v16;
	v9 =	vshll.u32 v17, $0x10  }
0x132: {  	v22 =	vmul.f32 v31, v31;
	v31 =	vmul.f32 v60, v60;
	v19 =	vsub.f32 v9, v12  }
0x133: {  	v17 =	vmul.f32 v41, v41;
	v12 =	vadd.f32 v13, v24;
	v9 =	vadd.f32 v26, v63  }
0x134: {  	v24 =	vmul.f32 v33, v33;
	v13 =	vadd.f32 v8, v25;
	v26 =	vmul.f32 v34, v34  }
0x135: {  	s21 =	simm.s32 $0x11F0;
	s20 =	simm.s32 $0x100;
	v25 =	vmul.f32 v56, v56;
	v8 =	vadd.f32 v14, v46;
	v14 =	vadd.f32 v48, v47  }
.LBB2_4:
0x136: {  	v34 =	vmul.f32 v15, v15;
	v20 =	vadd.f32 v22, v20;
	v15 =	vadd.f32 v18, v17  }
0x137: {  	v21 =	vadd.f32 v23, v21;
	v17 =	vadd.f32 v26, v24  }
0x138: {  	v18 =	vmul.f32 v16, v16;
	v22 =	vadd.f32 v30, v28;
	v16 =	vadd.f32 v27, v25  }
0x139: {  	v23 =	vadd.f32 v31, v29;
	v26 =	vsub.f32 $0.0e+00, v11  }
0x13a: {  	v27 =	vsub.f32 $0.0e+00, v9;
	v30 =	vsub.f32 $0.0e+00, v8  }
0x13b: {  	v19 =	vmul.f32 v19, v19;
	v44 =	vsub.f32 $0.0e+00, v13;
	v45 =	vsub.f32 $0.0e+00, v14  }
0x13c: {  	v35 =	vsub.f32 $0.0e+00, v10;
	v24 =	vadd.f32 v34, v32  }
0x13d: {  	v18 =	vadd.f32 v19, v18;
	v19 =	vsub.f32 $0.0e+00, v12  }
0x13e: {  	v33 =	vld [tilespmem:s21+$0xFFFFFFD0];
	v29 =	vsub.f32 $0.0e+00, v22;
	v31 =	vsub.f32 $0.0e+00, v23;
	v26 =	vmul.f32 $1.442695020e+00, v26  }
0x13f: {  	v42 =	vsub.f32 $0.0e+00, v20;
	v27 =	vmul.f32 $1.442695020e+00, v27;
	v43 =	vsub.f32 $0.0e+00, v21  }
0x140: {  	v30 =	vmul.f32 $1.442695020e+00, v30;
	v34 =	vmul.f32 $1.442695020e+00, v44;
	v36 =	vsub.f32 $0.0e+00, v15  }
0x141: {  	v47 =	vld [tilespmem:s21+$0xFFFFFF90];
	v35 =	vmul.f32 $1.442695020e+00, v35;
	v39 =	vsub.f32 $0.0e+00, v17;
	v40 =	vsub.f32 $0.0e+00, v16  }
0x142: {  	v50 =	vld [tilespmem:s21+$0xFFFFFF60];
	v5 =	vadd.f32 v22, v5;
	v4 =	vadd.f32 v23, v4;
	v19 =	vmul.f32 $1.442695020e+00, v19  }
0x143: {  	v55 =	vld [tilespmem:s21+$0xFFFFFF70];
	v25 =	vshrl.u32 v33, $0xD;
	v29 =	vmul.f32 $1.442695020e+00, v29;
	v31 =	vmul.f32 $1.442695020e+00, v31  }
0x144: {  	v28 =	vand.u32 $0x1FFF, v33;
	v32 =	vmul.f32 $1.442695020e+00, v42;
	v33 =	vmul.f32 $1.442695020e+00, v45  }
0x145: {  	v37 =	vsub.f32 $0.0e+00, v24;
	v38 =	vsub.f32 $0.0e+00, v18;
	v36 =	vmul.f32 $1.442695020e+00, v36  }
0x146: {  	v48 =	vld [tilespmem:s21+$0xFFFFFFA0];
	v39 =	vmul.f32 $1.442695020e+00, v39;
	v40 =	vmul.f32 $1.442695020e+00, v40;
	v59 =	vadd.f32 v24, v51  }
0x147: {  	v1 =	vadd.f32 v18, v52;
	v18 =	vshrl.u32 v47, $0xD;
	v60 =	vand.u32 $0x1FFF, v50  }
0x148: {  	v23 =	vld [tilespmem:s21+$0xFFFFFF80];
	v61 =	vshrl.u32 v55, $0xD;
	v62 =	vand.u32 $0x1FFF, v55;
	v5 =	vadd.f32 v20, v5  }
0x149: {  	v49 =	vld [tilespmem:s21+$0xFFFFFF50];
	v4 =	vadd.f32 v21, v4;
	(erf) = vpow2.f32 v29;
	v29 =	vmul.f32 $1.442695020e+00, v43  }
0x14a: {  	v21 =	vld [tilespmem:s21+$0xFFFFFF20];
	v37 =	vmul.f32 $1.442695020e+00, v37;
	v38 =	vmul.f32 $1.442695020e+00, v38;
	v1 =	vadd.f32 v16, v1  }
0x14b: {  	v16 =	vshrl.u32 v48, $0xD;
	(erf) = vpow2.f32 v31;
	v5 =	vadd.f32 v13, v5  }
0x14c: {  	v31 =	vld [tilespmem:s21+$0xFFFFFFE0];
	v4 =	vadd.f32 v14, v4;
	(erf) = vpow2.f32 v32;
	v1 =	vadd.f32 v15, v1  }
0x14d: {  	v63 =	vshrl.u32 v23, $0xD;
	v23 =	vand.u32 $0x1FFF, v23;
	(erf) = vpow2.f32 v29  }
0x14e: {  	v0 =	vadd.f32 v12, v5;
	v57 =	vadd.f32 v11, v4;
	v32 =	vld.idx.msk [tilespmem:v60+s13+$0x0], $0xffff;
	(erf) = vpow2.f32 v34  }
0x14f: {  	v5 =	vadd.f32 v8, v1;
	v8 =	vshrl.u32 v49, $0xD;
	v1 =	vshrl.u32 v21, $0xD;
	v34 =	vld.idx.msk [tilespmem:v62+s13+$0x0], $0xffff  }
0x150: {  	v14 =	vld [tilespmem:s21+$0xFFFFFF40];
	v21 =	vand.u32 $0x1FFF, v21;
	(erf) = vpow2.f32 v33;
	[tilespmem:$0x1FFA0] =	vst v0;
	v0 =	vadd.f32 v17, v59  }
0x151: {  	v17 =	vand.u32 $0x1FFF, v47;
	v33 =	vld.idx.msk [tilespmem:v61+s13+$0x0], $0xffff;
	(erf) = vpow2.f32 v19;
	v41 =	vshrl.u32 v31, $0xD  }
0x152: {  	v31 =	vand.u32 $0x1FFF, v31;
	(erf) = vpow2.f32 v26;
	v0 =	vadd.f32 v10, v0  }
0x153: {  	v19 =	vld [tilespmem:s21+$0xFFFFFFB0];
	(erf) = vpow2.f32 v37;
	v59 =	vand.u32 $0xFFFF0000, v32;
	v32 =	vshll.u32 v32, $0x10  }
0x154: {  	v23 =	vld.idx.msk [tilespmem:v23+s13+$0x0], $0xffff;
	v42 =	vpop (erf);
	(erf) = vpow2.f32 v38;
	v4 =	vadd.f32 v9, v0;
	v61 =	vand.u32 $0xFFFF0000, v34  }
0x155: {  	v46 =	vld [tilespmem:s21+$0xFFFFFFF0];
	v34 =	vshll.u32 v34, $0x10;
	v7 =	vadd.f32 v42, v7;
	v22 =	vpop (erf);
	(erf) = vpow2.f32 v39  }
0x156: {  	v8 =	vld.idx.msk [tilespmem:v8+s13+$0x0], $0xffff;
	v39 =	vshrl.u32 v14, $0xD;
	v14 =	vand.u32 $0x1FFF, v14;
	v60 =	vand.u32 $0xFFFF0000, v33  }
0x157: {  	v16 =	vld.idx.msk [tilespmem:v16+s13+$0x0], $0xffff;
	v33 =	vshll.u32 v33, $0x10;
	v6 =	vadd.f32 v22, v6;
	v22 =	vpop (erf);
	(erf) = vpow2.f32 v40  }
0x158: {  	v24 =	vld.idx.msk [tilespmem:v41+s13+$0x0], $0xffff;
	v15 =	vshrl.u32 v19, $0xD;
	v33 =	vsub.f32 v33, v34;
	v7 =	vadd.f32 v22, v7;
	v20 =	vpop (erf)  }
0x159: {  	(erf) = vpow2.f32 v35;
	v35 =	vld.idx.msk [tilespmem:v63+s13+$0x0], $0xffff;
	v63 =	vand.u32 $0xFFFF0000, v23;
	v6 =	vadd.f32 v20, v6;
	v20 =	vpop (erf)  }
0x15a: {  	v29 =	vld [tilespmem:s21+$0x0];
	v23 =	vshll.u32 v23, $0x10;
	(erf) = vpow2.f32 v36;
	v7 =	vadd.f32 v20, v7  }
0x15b: {  	v22 =	vld [tilespmem:s21+$0xFFFFFF10];
	v13 =	vpop (erf);
	(erf) = vpow2.f32 v27;
	v27 =	vshrl.u32 v46, $0xD;
	v55 =	vand.u32 $0xFFFF0000, v8  }
0x15c: {  	v8 =	vshll.u32 v8, $0x10;
	v6 =	vadd.f32 v13, v6;
	v13 =	vpop (erf);
	(erf) = vpow2.f32 v30;
	v30 =	vld.idx.msk [tilespmem:v31+s13+$0x0], $0xffff  }
0x15d: {  	v31 =	vshrl.u32 v50, $0xD;
	v50 =	vand.u32 $0xFFFF0000, v16;
	v56 =	vadd.f32 v13, v7;
	v13 =	vld.idx.msk [tilespmem:v25+s13+$0x0], $0xffff  }
0x15e: {  	v16 =	vshll.u32 v16, $0x10;
	v12 =	vpop (erf);
	v25 =	vand.u32 $0x1FFF, v46;
	v15 =	vld.idx.msk [tilespmem:v15+s13+$0x0], $0xffff;
	v42 =	vand.u32 $0xFFFF0000, v24  }
0x15f: {  	v24 =	vshll.u32 v24, $0x10;
	v58 =	vadd.f32 v12, v6;
	v11 =	vpop (erf);
	v12 =	vld.idx.msk [tilespmem:v28+s13+$0x0], $0xffff;
	v28 =	vshrl.u32 v29, $0xD  }
0x160: {  	v29 =	vand.u32 $0x1FFF, v29;
	v0 =	vshrl.u32 v22, $0xD;
	v2 =	vadd.f32 v11, v53;
	v11 =	vpop (erf)  }
0x161: {  	v26 =	vld [tilespmem:s21+$0xFFFFFFC0];
	v62 =	vand.u32 $0xFFFF0000, v35;
	v35 =	vshll.u32 v35, $0x10;
	v3 =	vadd.f32 v11, v54;
	v11 =	vpop (erf)  }
0x162: {  	v21 =	vld.idx.msk [tilespmem:v21+s13+$0x0], $0xffff;
	v22 =	vand.u32 $0x1FFF, v22;
	v35 =	vsub.f32 v35, v23;
	v2 =	vadd.f32 v11, v2;
	v11 =	vpop (erf)  }
0x163: {  	v20 =	vld [tilespmem:s21+$0xFFFFFF30];
	v43 =	vand.u32 $0xFFFF0000, v30;
	v30 =	vshll.u32 v30, $0x10;
	v3 =	vadd.f32 v11, v3  }
0x164: {  	v27 =	vld.idx.msk [tilespmem:v27+s13+$0x0], $0xffff;
	v11 =	vpop (erf);
	v40 =	vand.u32 $0xFFFF0000, v13;
	v13 =	vshll.u32 v13, $0x10;
	v52 =	vand.u32 $0xFFFF0000, v15  }
0x165: {  	v31 =	vld.idx.msk [tilespmem:v31+s13+$0x0], $0xffff;
	v15 =	vshll.u32 v15, $0x10;
	v24 =	vsub.f32 v24, v30;
	v2 =	vadd.f32 v11, v2;
	v10 =	vpop (erf)  }
0x166: {  	v25 =	vld.idx.msk [tilespmem:v25+s13+$0x0], $0xffff;
	v41 =	vand.u32 $0xFFFF0000, v12;
	v12 =	vshll.u32 v12, $0x10;
	v3 =	vadd.f32 v10, v3  }
0x167: {  	v11 =	vand.u32 $0x1FFF, v48;
	v28 =	vld.idx.msk [tilespmem:v28+s13+$0x0], $0xffff;
	v10 =	vpop (erf);
	v40 =	vsub.f32 v40, v41;
	v12 =	vsub.f32 v13, v12  }
0x168: {  	v13 =	vshll.u32 v21, $0x10;
	v6 =	vadd.f32 v10, v2;
	v10 =	vld.idx.msk [tilespmem:v18+s13+$0x0], $0xffff;
	v18 =	vand.u32 $0x1FFF, v19  }
0x169: {  	v29 =	vld.idx.msk [tilespmem:v29+s13+$0x0], $0xffff;
	v9 =	vpop (erf);
	v19 =	vand.u32 $0x1FFF, v26;
	v2 =	vshrl.u32 v20, $0xD;
	v20 =	vand.u32 $0x1FFF, v20  }
0x16a: {  	v36 =	vld.idx.msk [tilespmem:v0+s13+$0x0], $0xffff;
	v44 =	vand.u32 $0xFFFF0000, v27;
	v27 =	vshll.u32 v27, $0x10;
	v7 =	vadd.f32 v9, v3  }
0x16b: {  	[tilespmem:$0x1FF90] =	vst v58;
	v9 =	vld.idx.msk [tilespmem:v17+s13+$0x0], $0xffff;
	v17 =	vshrl.u32 v26, $0xD;
	v26 =	vand.u32 $0x1FFF, v49;
	v58 =	vand.u32 $0xFFFF0000, v31  }
0x16c: {  	v22 =	vld.idx.msk [tilespmem:v22+s13+$0x0], $0xffff;
	v31 =	vshll.u32 v31, $0x10;
	v3 =	vand.u32 $0xFFFF0000, v21;
	v21 =	vsub.f32 v42, v43  }
0x16d: {  	v14 =	vld.idx.msk [tilespmem:v14+s13+$0x0], $0xffff;
	v40 =	vmul.f32 v40, v40;
	v12 =	vmul.f32 v12, v12;
	v45 =	vand.u32 $0xFFFF0000, v25  }
0x16e: {  	v25 =	vshll.u32 v25, $0x10;
	v31 =	vsub.f32 v31, v32;
	v32 =	vsub.f32 v60, v61  }
0x16f: {  	v46 =	vand.u32 $0xFFFF0000, v28;
	v28 =	vshll.u32 v28, $0x10;
	v47 =	vand.u32 $0xFFFF0000, v29  }
0x170: {  	v37 =	vld.idx.msk [tilespmem:v1+s13+$0x0], $0xffff;
	v29 =	vshll.u32 v29, $0x10;
	v0 =	vand.u32 $0xFFFF0000, v36;
	v36 =	vshll.u32 v36, $0x10  }
0x171: {  	v1 =	vand.u32 $0xFFFF0000, v22;
	v22 =	vshll.u32 v22, $0x10;
	v41 =	vsub.f32 v44, v45  }
0x172: {  	v39 =	vld.idx.msk [tilespmem:v39+s13+$0x0], $0xffff;
	v25 =	vsub.f32 v27, v25;
	v44 =	vand.u32 $0xFFFF0000, v14;
	v14 =	vshll.u32 v14, $0x10  }
0x173: {  	v11 =	vld.idx.msk [tilespmem:v11+s13+$0x0], $0xffff;
	v34 =	vmul.f32 v21, v21;
	v12 =	vadd.f32 v12, v40;
	v28 =	vsub.f32 v28, v29  }
0x174: {  	v0 =	vsub.f32 v0, v1;
	v23 =	vmul.f32 v31, v31;
	v18 =	vld.idx.msk [tilespmem:v18+s13+$0x0], $0xffff;
	v48 =	vand.u32 $0xFFFF0000, v10  }
0x175: {  	v10 =	vshll.u32 v10, $0x10;
	v38 =	vld.idx.msk [tilespmem:v2+s13+$0x0], $0xffff;
	v2 =	vand.u32 $0xFFFF0000, v37;
	v37 =	vshll.u32 v37, $0x10  }
0x176: {  	v19 =	vld.idx.msk [tilespmem:v19+s13+$0x0], $0xffff;
	v41 =	vmul.f32 v41, v41;
	v49 =	vand.u32 $0xFFFF0000, v9;
	v2 =	vsub.f32 v2, v3  }
0x177: {  	v20 =	vld.idx.msk [tilespmem:v20+s13+$0x0], $0xffff;
	v9 =	vshll.u32 v9, $0x10;
	v13 =	vsub.f32 v37, v13;
	v42 =	vsub.f32 v48, v49  }
0x178: {  	v9 =	vsub.f32 v10, v9;
	v51 =	vand.u32 $0xFFFF0000, v11;
	v11 =	vshll.u32 v11, $0x10  }
0x179: {  	v17 =	vld.idx.msk [tilespmem:v17+s13+$0x0], $0xffff;
	v31 =	vmul.f32 v13, v13;
	v11 =	vsub.f32 v16, v11;
	v16 =	vand.u32 $0xFFFF0000, v39  }
0x17a: {  	v26 =	vld.idx.msk [tilespmem:v26+s13+$0x0], $0xffff;
	v39 =	vshll.u32 v39, $0x10;
	v53 =	vand.u32 $0xFFFF0000, v18;
	v18 =	vshll.u32 v18, $0x10  }
0x17b: {  	[tilespmem:$0x1FFB0] =	vst v56;
	v56 =	vand.u32 $0xFFFF0000, v19;
	v19 =	vshll.u32 v19, $0x10;
	v30 =	vand.u32 $0xFFFF0000, v38  }
0x17c: {  	v27 =	vshll.u32 v38, $0x10;
	v38 =	vsub.f32 v46, v47;
	v29 =	vand.u32 $0xFFFF0000, v20  }
0x17d: {  	v10 =	vshll.u32 v20, $0x10;
	v20 =	vsub.f32 v50, v51;
	v46 =	vmul.f32 v24, v24  }
0x17e: {  	v24 =	vmul.f32 v32, v32;
	v54 =	vand.u32 $0xFFFF0000, v17;
	v17 =	vshll.u32 v17, $0x10  }
0x17f: {  	[tilespmem:$0x1FF80] =	vst v57;
	v57 =	vand.u32 $0xFFFF0000, v26;
	v26 =	vshll.u32 v26, $0x10;
	v43 =	vsub.f32 v52, v53  }
0x180: {  	v15 =	vsub.f32 v15, v18;
	v61 =	vmul.f32 v11, v11;
	v18 =	vsub.f32 v54, v56  }
0x181: {  	v19 =	vsub.f32 v17, v19;
	v45 =	vsub.f32 v55, v57;
	v56 =	vmul.f32 v25, v25  }
0x182: {  	v8 =	vsub.f32 v8, v26;
	v38 =	vmul.f32 v38, v38;
	v57 =	vmul.f32 v28, v28  }
0x183: {  	v26 =	vsub.f32 v58, v59;
	v58 =	vmul.f32 v42, v42;
	v59 =	vmul.f32 v9, v9  }
0x184: {  	v55 =	vsub.f32 v62, v63;
	v60 =	vmul.f32 v20, v20;
	v28 =	vmul.f32 v0, v0  }
0x185: {  	v63 =	vsub.f32 v30, v29;
	v29 =	vmul.f32 v2, v2;
	v3 =	vmul.f32 v43, v43  }
0x186: {  	s20 =	sadd.s32 $0x10, s20;
	v62 =	vmul.f32 v15, v15;
	v15 =	vsub.f32 v27, v10;
	v27 =	vmul.f32 v35, v35  }
0x187: {  	p1 =	slt.u32 s20, $0x1F0;
	v16 =	vsub.f32 v16, v44;
	v17 =	vmul.f32 v18, v18;
	v18 =	vmul.f32 v19, v19  }
.Ltmp3:
0x188: {  	v9 =	vsub.f32 v36, v22;
	v20 =	vmul.f32 v45, v45;
	v22 =	vmul.f32 v8, v8;
	(pc) =	sbr.rel @p1 .LBB2_4-.Ltmp3, $4  }
0x189: {  	v51 =	vmovc v4;
	v4 =	vld [tilespmem:$0x1FF80];
	v11 =	vadd.f32 v46, v34;
	v21 =	vmul.f32 v26, v26;
	v26 =	vmul.f32 v33, v33  }
0x18a: {  	v52 =	vmovc v5;
	v5 =	vld [tilespmem:$0x1FFA0];
	v19 =	vsub.f32 v39, v14;
	v30 =	vmul.f32 v9, v9;
	v9 =	vadd.f32 v56, v41  }
0x18b: {  	v53 =	vmovc v6;
	v6 =	vld [tilespmem:$0x1FF90];
	v25 =	vmul.f32 v55, v55;
	v13 =	vadd.f32 v59, v58;
	v8 =	vadd.f32 v57, v38  }
0x18c: {  	s21 =	sadd.s32 $0x100, s21;
	v54 =	vmovc v7;
	v7 =	vld [tilespmem:$0x1FFB0];
	v32 =	vmul.f32 v63, v63;
	v14 =	vadd.f32 v61, v60;
	v10 =	vadd.f32 v62, v3  }
0x18d: {  	v1 =	vadd.f32 v22, v20  }
0x18e: {  	v2 =	vadd.f32 v18, v17;
	v45 =	vadd.f32 v23, v21  }
0x18f: {  	v3 =	vmul.f32 v16, v16;
	v16 =	vadd.f32 v26, v24;
	v46 =	vadd.f32 v30, v28  }
0x190: {  	v47 =	vmul.f32 v19, v19;
	v19 =	vadd.f32 v27, v25;
	v48 =	vadd.f32 v31, v29  }
0x191: {  	v49 =	vsub.f32 $0.0e+00, v12;
	v50 =	vsub.f32 $0.0e+00, v11  }
0x192: {  	v56 =	vsub.f32 $0.0e+00, v9;
	v60 =	vsub.f32 $0.0e+00, v13  }
0x193: {  	v39 =	vsub.f32 $0.0e+00, v8;
	v62 =	vsub.f32 $0.0e+00, v14  }
0x194: {  	v0 =	vmul.f32 v15, v15;
	v30 =	vsub.f32 $0.0e+00, v10;
	v55 =	vsub.f32 $0.0e+00, v46  }
0x195: {  	v57 =	vsub.f32 $0.0e+00, v48;
	v18 =	vmul.f32 $1.442695020e+00, v49;
	v21 =	vmul.f32 $1.442695020e+00, v50  }
0x196: {  	v58 =	vsub.f32 $0.0e+00, v1;
	v23 =	vmul.f32 $1.442695020e+00, v56;
	v22 =	vmul.f32 $1.442695020e+00, v55  }
0x197: {  	v59 =	vsub.f32 $0.0e+00, v45;
	v63 =	vmul.f32 $1.442695020e+00, v60;
	v24 =	vmul.f32 $1.442695020e+00, v57  }
0x198: {  	v0 =	vadd.f32 v0, v32;
	v25 =	vmul.f32 $1.442695020e+00, v58;
	(erf) = vpow2.f32 v22  }
0x199: {  	v3 =	vadd.f32 v47, v3;
	v61 =	vmul.f32 $1.442695020e+00, v59;
	(erf) = vpow2.f32 v24  }
0x19a: {  	v5 =	vadd.f32 v46, v5;
	v46 =	vmul.f32 $1.442695020e+00, v39;
	(erf) = vpow2.f32 v25  }
0x19b: {  	v32 =	vsub.f32 $0.0e+00, v2;
	v31 =	vmul.f32 $1.442695020e+00, v62;
	(erf) = vpow2.f32 v61  }
0x19c: {  	v27 =	vmul.f32 $1.442695020e+00, v30;
	v33 =	vsub.f32 $0.0e+00, v0;
	(erf) = vpow2.f32 v63  }
0x19d: {  	v34 =	vsub.f32 $0.0e+00, v3;
	v26 =	vmul.f32 $1.442695020e+00, v32;
	(erf) = vpow2.f32 v31  }
0x19e: {  	v35 =	vsub.f32 $0.0e+00, v16;
	v22 =	vmul.f32 $1.442695020e+00, v33;
	(erf) = vpow2.f32 v18  }
0x19f: {  	v37 =	vsub.f32 $0.0e+00, v19;
	v36 =	vmul.f32 $1.442695020e+00, v34;
	(erf) = vpow2.f32 v21  }
0x1a0: {  	v4 =	vadd.f32 v48, v4;
	v38 =	vmul.f32 $1.442695020e+00, v35;
	(erf) = vpow2.f32 v22  }
0x1a1: {  	v24 =	vmul.f32 $1.442695020e+00, v37;
	v40 =	vpop (erf);
	(erf) = vpow2.f32 v36  }
0x1a2: {  	v1 =	vadd.f32 v1, v5;
	v4 =	vadd.f32 v45, v4;
	v41 =	vpop (erf);
	(erf) = vpow2.f32 v38  }
0x1a3: {  	v0 =	vadd.f32 v0, v51;
	v3 =	vadd.f32 v3, v52;
	v42 =	vpop (erf);
	(erf) = vpow2.f32 v24  }
0x1a4: {  	v1 =	vadd.f32 v13, v1;
	v4 =	vadd.f32 v14, v4;
	v44 =	vpop (erf);
	(erf) = vpow2.f32 v27  }
0x1a5: {  	v0 =	vadd.f32 v16, v0;
	v3 =	vadd.f32 v19, v3;
	v45 =	vpop (erf);
	(erf) = vpow2.f32 v26  }
0x1a6: {  	v1 =	vadd.f32 v12, v1;
	v7 =	vadd.f32 v40, v7;
	v47 =	vpop (erf);
	(erf) = vpow2.f32 v23  }
0x1a7: {  	v4 =	vadd.f32 v11, v4;
	v6 =	vadd.f32 v41, v6;
	v48 =	vpop (erf)  }
0x1a8: {  	v0 =	vadd.f32 v10, v0;
	v43 =	vadd.f32 v42, v7;
	(erf) = vpow2.f32 v46;
	v49 =	vpop (erf)  }
0x1a9: {  	v2 =	vadd.f32 v2, v3;
	v6 =	vadd.f32 v44, v6;
	v50 =	vpop (erf)  }
0x1aa: {  	v5 =	vadd.f32 v45, v43;
	v7 =	vadd.f32 v50, v53;
	v53 =	vpop (erf)  }
0x1ab: {  	v6 =	vadd.f32 v47, v6;
	v11 =	vadd.f32 v53, v54;
	v54 =	vpop (erf)  }
0x1ac: {  	v0 =	vadd.f32 v9, v0;
	v7 =	vadd.f32 v54, v7;
	v55 =	vpop (erf)  }
0x1ad: {  	v5 =	vadd.f32 v48, v5;
	v6 =	vadd.f32 v49, v6;
	v56 =	vpop (erf)  }
0x1ae: {  	v11 =	vadd.f32 v55, v11;
	v7 =	vadd.f32 v56, v7;
	v57 =	vpop (erf)  }
0x1af: {  	v1 =	vadd.f32 v4, v1;
	v5 =	vadd.f32 v6, v5;
	v59 =	vpop (erf)  }
0x1b0: {  	v58 =	vadd.f32 v57, v11;
	v60 =	vadd.f32 v59, v7  }
0x1b1: {  	v2 =	vadd.f32 v8, v2;
	v0 =	vadd.f32 v0, v1;
	v61 =	vpop (erf)  }
0x1b2: {  	v62 =	vadd.f32 v61, v58;
	v63 =	vadd.f32 v60, v5  }
0x1b3: {  	v0 =	vadd.f32 v2, v0  }
0x1b4: {  	v1 =	vadd.f32 v62, v63  }
0x1b5: {  	[tilespmem:$0x4080] =	vst v0  }
0x1b6: {  	[tilespmem:$0x4100] =	vst v1  }
0x1b7: {  	[spmem:s5] =	stream.linear.scatter [tilespmem:s15], [sflag:$0x3], $0x10, $0x38;
	[tilespmem:$0x45A8] =	vst v63  }
0x1b8: {  	_ =	swait.ge [sflag:s16], $0x10  }
0x1b9: {  	[sflag:s16] =	ssyncset.done $0x0  }
0x1ba: {  	[sflag:s16] =	ssyncadd.s32 $0xFFFFFFF0  }
0x1bb: {  	[spmem:s8] =	stream.linear.scatter [tilespmem:s17], [sflag:$0x3], $0x10, $0x38;
	[tilespmem:$0x45A8] =	vst v63  }
.Ltmp4:
0x1bc: {  	_ =	swait.ge [sflag:s16], $0x10;
	(pc) =	sbr.rel @p0 .LBB2_7-.Ltmp4, $3  }
0x1bd: {  	[sflag:s16] =	ssyncset.done $0x0  }
0x1be: {  	[sflag:s16] =	ssyncadd.s32 $0xFFFFFFF0  }
0x1bf: {  	[bflag:$0x0] =	sbarrier.arrive $0xFFFF;
	_ =	sdelay $0x1  }
0x1c0: {  	[tilespmem:s18], [sflag:$0x3] =	stream.linear.gather [spmem:s2], $0x200, $0x38;
	[tilespmem:$0x45A8] =	vst v63  }
0x1c1: {  	_ =	swait.ge [sflag:s16], $0x200  }
0x1c2: {  	[sflag:s16] =	ssyncset.done $0x0  }
0x1c3: {  	[sflag:s16] =	ssyncadd.s32 $0xFFFFFE00  }
0x1c4: {  	v0 =	vld [tilespmem:$0x4180]  }
0x1c5: {  	v1 =	vld [tilespmem:$0x4280]  }
0x1c6: {  	v2 =	vld [tilespmem:$0x4190]  }
0x1c7: {  	v3 =	vld [tilespmem:$0x4290]  }
0x1c8: {  	v4 =	vld [tilespmem:$0x41A0]  }
0x1c9: {  	v5 =	vld [tilespmem:$0x42A0]  }
0x1ca: {  	v6 =	vld [tilespmem:$0x41B0]  }
0x1cb: {  	v7 =	vld [tilespmem:$0x42B0]  }
0x1cc: {  	v38 =	vld [tilespmem:$0x41C0];
	v1 =	vadd.f32 v3, v1  }
0x1cd: {  	v8 =	vld [tilespmem:$0x42C0]  }
0x1ce: {  	v39 =	vld [tilespmem:$0x41D0];
	v0 =	vadd.f32 v2, v0;
	v1 =	vadd.f32 v5, v1  }
0x1cf: {  	v40 =	vld [tilespmem:$0x42D0]  }
0x1d0: {  	v41 =	vld [tilespmem:$0x41E0];
	v0 =	vadd.f32 v4, v0;
	v1 =	vadd.f32 v7, v1  }
0x1d1: {  	v42 =	vld [tilespmem:$0x42E0]  }
0x1d2: {  	v43 =	vld [tilespmem:$0x41F0];
	v0 =	vadd.f32 v6, v0;
	v1 =	vadd.f32 v8, v1  }
0x1d3: {  	v44 =	vld [tilespmem:$0x42F0]  }
0x1d4: {  	v45 =	vld [tilespmem:$0x4200];
	v0 =	vadd.f32 v38, v0;
	v1 =	vadd.f32 v40, v1  }
0x1d5: {  	v46 =	vld [tilespmem:$0x4300]  }
0x1d6: {  	v47 =	vld [tilespmem:$0x4210];
	v0 =	vadd.f32 v39, v0;
	v1 =	vadd.f32 v42, v1  }
0x1d7: {  	v48 =	vld [tilespmem:$0x4310]  }
0x1d8: {  	v49 =	vld [tilespmem:$0x4320];
	v0 =	vadd.f32 v41, v0;
	v1 =	vadd.f32 v44, v1  }
0x1d9: {  	v50 =	vld [tilespmem:$0x4000]  }
0x1da: {  	v51 =	vld [tilespmem:$0x4220];
	v0 =	vadd.f32 v43, v0;
	v1 =	vadd.f32 v46, v1  }
0x1db: {  	v52 =	vld [tilespmem:$0x4330]  }
0x1dc: {  	v53 =	vld [tilespmem:$0x4230];
	v0 =	vadd.f32 v45, v0;
	v1 =	vadd.f32 v48, v1  }
0x1dd: {  	v54 =	vld [tilespmem:$0x4340]  }
0x1de: {  	v55 =	vld [tilespmem:$0x4240];
	v56 =	vmul.f32 $1.442695020e+00, v50;
	v0 =	vadd.f32 v47, v0;
	v1 =	vadd.f32 v49, v1  }
0x1df: {  	v9 =	vld [tilespmem:$0x4350]  }
0x1e0: {  	v57 =	vld [tilespmem:$0x4250];
	(erf) = vpow2.f32 v56;
	v0 =	vadd.f32 v51, v0;
	v1 =	vadd.f32 v52, v1  }
0x1e1: {  	v58 =	vld [tilespmem:$0x4360]  }
0x1e2: {  	v59 =	vld [tilespmem:$0x4260];
	v0 =	vadd.f32 v53, v0;
	v1 =	vadd.f32 v54, v1  }
0x1e3: {  	v60 =	vld [tilespmem:$0x4370]  }
0x1e4: {  	v0 =	vadd.f32 v55, v0;
	v1 =	vadd.f32 v9, v1  }
0x1e5: {  	v61 =	vld [tilespmem:$0x4270]  }
0x1e6: {  	v0 =	vadd.f32 v57, v0;
	v1 =	vadd.f32 v58, v1;
	_ =	sdelay $0x1  }
0x1e7: {  	v0 =	vadd.f32 v59, v0;
	v1 =	vadd.f32 v60, v1  }
0x1e8: {  	v62 =	vpop (erf)  }
0x1e9: {  	v0 =	vadd.f32 v61, v0;
	v1 =	vmul.f32 v62, v1;
	_ =	sdelay $0x1  }
0x1ea: {  	v63 =	vmul.f32 $-8.192000000e+03, v50;
	v0 =	vadd.f32 v1, v0;
	_ =	sdelay $0x1  }
0x1eb: {  	v0 =	vadd.f32 v63, v0;
	_ =	sdelay $0x1  }
.Ltmp5:
0x1ec: {  	[tilespmem:$0x4080] =	vst v0;
	(pc) =	sbr.rel .LBB2_7-.Ltmp5, $4  }
0x1ed: {  	[hbm4b:s9+s3] =	stream.linear.scatter [tilespmem:s15], [sflag:$0x3], $0x10, $0x38;
	[tilespmem:$0x45A8] =	vst v63  }
0x1ee: {  	_ =	swait.ge [sflag:s16], $0x10  }
0x1ef: {  	[sflag:s16] =	ssyncset.done $0x0  }
0x1f0: {  	[sflag:s16] =	ssyncadd.s32 $0xFFFFFFF0  }
.LBB2_8:
0x1f1: {  	_ =	sfence.sel $0x180000  }
0x1f2: {  	[bflag:$0x0] =	sbarrier.arrive $0xFFFF  }
0x1f3: {  	_ =	strace $0x90000047  }
0x1f4: {  	s0 =	sadd.s32 @!p0 $0x100000, s0;
	[bflag:$0x2] =	sbarrier.arrive $0xFFFF  }
0x1f5: {  	[sflag:s0] =	ssyncadd.tile.s32 @!p0 $0x1;
	_ =	shalt  }
.Lfunc_end2:
_tile_overlayer_lowered:
.L_overlay_start_2:
0x1f6: {  	(tag) =	ssettag $0x2  }
0x1f7: {  	s0 =	rddreg [dreg:$0x0];
	s2 =	stileid.u32  }
0x1f8: {  	s1 =	rddreg [dreg:$0x1];
	p0 =	sne.s32 s2, $0x0  }
0x1f9: {  	s3 =	rddreg [dreg:$0x2];
	[bflag:$0x3] =	sbarrier.arrive $0xFFFF;
	s2 =	simm.s32 @!p0 $0x1C03  }
0x1fa: {  	[timem:s3], [sflag:s2] =	dma.local @!p0 [hbm:s0], s1  }
0x1fb: {  	s0 =	simm.s32 @!p0 $0x3  }
0x1fc: {  	_ =	swait.ge @!p0 [sflag:s0], s1  }
0x1fd: {  	s1 =	ssub.s32 @!p0 $0x0, s1;
	[sflag:s0] =	ssyncset.done @!p0 $0x0  }
0x1fe: {  	[sflag:s0] =	ssyncadd.s32 @!p0 s1  }
0x1ff: {  	[bflag:$0x3] =	sbarrier.arrive $0xFFFF  }
0x200: {  	_ =	shalt  }

</sc_bundles>
